<compile_context>
chip_gen: v7x
topology: tpu7x:2x2x1
jax: 0.10.2.dev20260603
libtpu: 0.0.44.dev20260713+nightly
codegen_flags: <defaults>
</compile_context>

<pallas_src>
import jax
import jax.numpy as jnp
from jax import lax
from jax.experimental import pallas as pl
from jax.experimental.pallas import tpu as pltpu
from jax.experimental.pallas import tpu_sc as plsc

BATCH = 1024
SEQLEN = 200
D = 128
NC = 2
NS = 16
NW = NC * NS
RPW = BATCH // NW
OFFS = (0, 128)
SIZES = (128, SEQLEN - 128)
NBUF = 4
LOOK = 2


def _emb_body(idx_hbm, table_hbm, out_hbm, idx_v, rows_v, gsem, ssem):
    wid = lax.axis_index("s") * NC + lax.axis_index("c")
    row0 = wid * RPW
    pltpu.sync_copy(idx_hbm.at[pl.ds(row0, RPW)], idx_v)

    def start_gathers(row, b):
        for off, size in zip(OFFS, SIZES):
            pltpu.make_async_copy(
                table_hbm.at[idx_v.at[row, pl.ds(off, size)]],
                rows_v.at[b, pl.ds(off, size)],
                gsem.at[b],
            ).start()

    def wait_gathers(b):
        pltpu.make_async_copy(
            table_hbm.at[idx_v.at[0]], rows_v.at[b], gsem.at[b]).wait()

    def start_scatter(row, b):
        pltpu.make_async_copy(
            rows_v.at[b], out_hbm.at[row0 + row], ssem.at[b]).start()

    def wait_scatter(b):
        pltpu.make_async_copy(
            rows_v.at[b], out_hbm.at[row0], ssem.at[b]).wait()

    for b in range(NBUF):
        start_gathers(b, b)

    @pl.loop(0, RPW, step=NBUF)
    def _(r0):
        for b in range(NBUF):
            row = r0 + b
            wait_gathers(b)
            start_scatter(row, b)
            rw = row - LOOK
            bw = (b - LOOK) % NBUF
            rg = rw + NBUF

            @pl.when(jnp.logical_and(rw >= 0, rg < RPW))
            def _():
                wait_scatter(bw)
                start_gathers(rg, bw)

    for b in range(NBUF):
        wait_scatter(b)


_emb_call = pl.kernel(
    _emb_body,
    out_type=jax.ShapeDtypeStruct((BATCH, SEQLEN, D), jnp.float32),
    mesh=plsc.VectorSubcoreMesh(core_axis_name="c", subcore_axis_name="s"),
    scratch_types=[
        pltpu.VMEM((RPW, SEQLEN), jnp.int32),
        pltpu.VMEM((NBUF, SEQLEN, D), jnp.float32),
        pltpu.SemaphoreType.DMA((NBUF,)),
        pltpu.SemaphoreType.DMA((NBUF,)),
    ],
)


def _mask_body(tok_ref, m_ref):
    m_ref[...] = (tok_ref[...] > 0).astype(jnp.int8)


_mask_call = pl.pallas_call(
    _mask_body,
    out_shape=jax.ShapeDtypeStruct((BATCH, SEQLEN), jnp.int8),
)


def kernel(tokenid, table):
    input_emb = _emb_call(tokenid, table)
    mask = _mask_call(tokenid).astype(jnp.bool_)
    return (input_emb, mask)

# --- scband reference (transcript-rebuilt; emitter-appended) ---
"""Pipeline reference for scband-rnn-input-embedder-35648228556887 (READ-ONLY COPY).

The authoritative reference and input builder live on the scoring server;
editing this copy changes nothing except your own understanding.
"""

import jax, jax.numpy as jnp
import numpy as np

VOCAB = 100000
D_LANG = 128
BATCH = 1024
SEQLEN = 200

def setup_inputs(seed: int = 0) -> dict:
    key = jax.random.key(seed)
    k1, k2 = jax.random.split(key)
    tokenid = jax.random.randint(k1, (BATCH, SEQLEN), 0, VOCAB, dtype=jnp.int64 if jax.config.jax_enable_x64 else jnp.int32)
    table = jax.random.normal(k2, (VOCAB, D_LANG), dtype=jnp.float32) * 0.02
    return {"tokenid": tokenid, "table": table}

def reference(tokenid, table):
    # ElmoWrapper: token-id -> embedding lookup producing (batch, seqlen, d_lang)
    # plus padding mask (id 0 = pad). Dropout is identity in eval mode.
    token_emb = jnp.take(table, tokenid, axis=0)
    mask = tokenid > 0
    input_emb = token_emb  # nn.Dropout in eval: identity
    return (input_emb, mask)

if __name__ == "__main__":
    import jax
    _d = setup_inputs()
    print(jax.jit(kernel)(*tuple(_d.values())))

</pallas_src>

<mosaic_0001>
#map = affine_map<(d0, d1) -> (0, 0)>
#map1 = affine_map<(d0, d1) -> (0, 0, 0)>
module attributes {stable_mosaic.version = 14 : i64} {
  func.func @_emb_body(%arg0: i32, %arg1: i32, %arg2: memref<1024x200xi32, #tpu.memory_space<hbm>>, %arg3: memref<100000x128xf32, #tpu.memory_space<hbm>>, %arg4: memref<1024x200x128xf32, #tpu.memory_space<hbm>>, %arg5: memref<32x200xi32, #tpu.memory_space<vmem>>, %arg6: memref<4x200x128xf32, #tpu.memory_space<vmem>>, %arg7: memref<4x!tpu.dma_semaphore, #tpu.memory_space<semaphore_mem>>, %arg8: memref<4x!tpu.dma_semaphore, #tpu.memory_space<semaphore_mem>>) attributes {dimension_semantics = [#tpu.dimension_semantics<core_parallel>, #tpu.dimension_semantics<subcore_parallel>], iteration_bounds = array<i64: 2, 16>, scalar_prefetch = 0 : i64, scratch_operands = 4 : i64, tpu.core_type = #tpu.core_type<sc_vector_subcore>, window_params = [{transform_indices = #map}, {transform_indices = #map}, {transform_indices = #map1}]} {
    %mul3A = arith.constant 2 : i32
    %mul3A_0 = arith.muli %arg1, %mul3A : i32
    %add3A = arith.addi %mul3A_0, %arg0 : i32
    %mul3A_1 = arith.constant 32 : i32
    %mul3A_2 = arith.muli %add3A, %mul3A_1 : i32
    "tpu.region"() ({
      %run_scoped3A = tpu.sem_alloc : memref<!tpu.dma_semaphore, #tpu.memory_space<semaphore_mem>>
      %dma_start3A_205 = arith.constant 0 : i32
      %dma_start3A_206 = tpu.memref_slice %arg2[%mul3A_2, %dma_start3A_205] : memref<1024x200xi32, #tpu.memory_space<hbm>> -> memref<32x200xi32, #tpu.memory_space<hbm>>
      %dma_start3A_207 = arith.constant 0 : i32
      %dma_start3A_208 = tpu.memref_slice %arg2[%mul3A_2, %dma_start3A_207] : memref<1024x200xi32, #tpu.memory_space<hbm>> -> memref<32x200xi32, #tpu.memory_space<hbm>>
      tpu.enqueue_dma source(%dma_start3A_208 : memref<32x200xi32, #tpu.memory_space<hbm>>) target(%arg5 : memref<32x200xi32, #tpu.memory_space<vmem>>) target_semaphore(%run_scoped3A : memref<!tpu.dma_semaphore, #tpu.memory_space<semaphore_mem>>)
      %dma_wait3A_209 = arith.constant 0 : i32
      %dma_wait3A_210 = tpu.memref_slice %arg2[%mul3A_2, %dma_wait3A_209] : memref<1024x200xi32, #tpu.memory_space<hbm>> -> memref<32x200xi32, #tpu.memory_space<hbm>>
      %dma_wait3A_211 = arith.constant 0 : i32
      %dma_wait3A_212 = tpu.memref_slice %arg2[%mul3A_2, %dma_wait3A_211] : memref<1024x200xi32, #tpu.memory_space<hbm>> -> memref<32x200xi32, #tpu.memory_space<hbm>>
      tpu.wait_dma2 semaphore(%run_scoped3A : memref<!tpu.dma_semaphore, #tpu.memory_space<semaphore_mem>>) src(%dma_wait3A_212 : memref<32x200xi32, #tpu.memory_space<hbm>>) dst(%arg5 : memref<32x200xi32, #tpu.memory_space<vmem>>)
      tpu.yield
    }) : () -> ()
    %dma_start3A = arith.constant 0 : i32
    %dma_start3A_3 = arith.constant 0 : i32
    %dma_start3A_4 = arith.constant 0 : i32
    %dma_start3A_5 = arith.constant 0 : i32
    %dma_start3A_6 = arith.constant 0 : i32
    %dma_start3A_7 = tpu.memref_slice %arg6[%dma_start3A_3, %dma_start3A_5, %dma_start3A_6] : memref<4x200x128xf32, #tpu.memory_space<vmem>> -> memref<1x128x128xf32, #tpu.memory_space<vmem>>
    %dma_start3A_8 = tpu.memref_squeeze %dma_start3A_7 : memref<1x128x128xf32, #tpu.memory_space<vmem>> -> memref<128x128xf32, #tpu.memory_space<vmem>>
    %dma_start3A_9 = arith.constant 0 : i32
    %dma_start3A_10 = tpu.memref_slice %arg5[%dma_start3A, %dma_start3A_9] : memref<32x200xi32, #tpu.memory_space<vmem>> -> memref<1x128xi32, #tpu.memory_space<vmem>>
    %dma_start3A_11 = tpu.memref_squeeze %dma_start3A_10 : memref<1x128xi32, #tpu.memory_space<vmem>> -> memref<128xi32, #tpu.memory_space<vmem>>
    %dma_start3A_12 = arith.constant 0 : i32
    %dma_start3A_13 = arith.constant 0 : i32
    %dma_start3A_14 = tpu.memref_slice %arg3[%dma_start3A_12, %dma_start3A_13] : memref<100000x128xf32, #tpu.memory_space<hbm>> -> memref<100000x128xf32, #tpu.memory_space<hbm>>
    %dma_start3A_15 = tpu.memref_slice %arg7[%dma_start3A_4] : memref<4x!tpu.dma_semaphore, #tpu.memory_space<semaphore_mem>> -> memref<1x!tpu.dma_semaphore, #tpu.memory_space<semaphore_mem>>
    %dma_start3A_16 = tpu.memref_squeeze %dma_start3A_15 : memref<1x!tpu.dma_semaphore, #tpu.memory_space<semaphore_mem>> -> memref<!tpu.dma_semaphore, #tpu.memory_space<semaphore_mem>>
    tpu.enqueue_indirect_dma source(%dma_start3A_14 : memref<100000x128xf32, #tpu.memory_space<hbm>>) target(%dma_start3A_8 : memref<128x128xf32, #tpu.memory_space<vmem>>) offsets(%dma_start3A_11 : memref<128xi32, #tpu.memory_space<vmem>>) semaphore(%dma_start3A_16 : memref<!tpu.dma_semaphore, #tpu.memory_space<semaphore_mem>>)
    %dma_start3A_17 = arith.constant 0 : i32
    %dma_start3A_18 = arith.constant 0 : i32
    %dma_start3A_19 = arith.constant 0 : i32
    %dma_start3A_20 = arith.constant 128 : i32
    %dma_start3A_21 = arith.constant 0 : i32
    %dma_start3A_22 = tpu.memref_slice %arg6[%dma_start3A_18, %dma_start3A_20, %dma_start3A_21] : memref<4x200x128xf32, #tpu.memory_space<vmem>> -> memref<1x72x128xf32, #tpu.memory_space<vmem>>
    %dma_start3A_23 = tpu.memref_squeeze %dma_start3A_22 : memref<1x72x128xf32, #tpu.memory_space<vmem>> -> memref<72x128xf32, #tpu.memory_space<vmem>>
    %dma_start3A_24 = arith.constant 128 : i32
    %dma_start3A_25 = tpu.memref_slice %arg5[%dma_start3A_17, %dma_start3A_24] : memref<32x200xi32, #tpu.memory_space<vmem>> -> memref<1x72xi32, #tpu.memory_space<vmem>>
    %dma_start3A_26 = tpu.memref_squeeze %dma_start3A_25 : memref<1x72xi32, #tpu.memory_space<vmem>> -> memref<72xi32, #tpu.memory_space<vmem>>
    %dma_start3A_27 = arith.constant 0 : i32
    %dma_start3A_28 = arith.constant 0 : i32
    %dma_start3A_29 = tpu.memref_slice %arg3[%dma_start3A_27, %dma_start3A_28] : memref<100000x128xf32, #tpu.memory_space<hbm>> -> memref<100000x128xf32, #tpu.memory_space<hbm>>
    %dma_start3A_30 = tpu.memref_slice %arg7[%dma_start3A_19] : memref<4x!tpu.dma_semaphore, #tpu.memory_space<semaphore_mem>> -> memref<1x!tpu.dma_semaphore, #tpu.memory_space<semaphore_mem>>
    %dma_start3A_31 = tpu.memref_squeeze %dma_start3A_30 : memref<1x!tpu.dma_semaphore, #tpu.memory_space<semaphore_mem>> -> memref<!tpu.dma_semaphore, #tpu.memory_space<semaphore_mem>>
    tpu.enqueue_indirect_dma source(%dma_start3A_29 : memref<100000x128xf32, #tpu.memory_space<hbm>>) target(%dma_start3A_23 : memref<72x128xf32, #tpu.memory_space<vmem>>) offsets(%dma_start3A_26 : memref<72xi32, #tpu.memory_space<vmem>>) semaphore(%dma_start3A_31 : memref<!tpu.dma_semaphore, #tpu.memory_space<semaphore_mem>>)
    %dma_start3A_32 = arith.constant 1 : i32
    %dma_start3A_33 = arith.constant 1 : i32
    %dma_start3A_34 = arith.constant 1 : i32
    %dma_start3A_35 = arith.constant 0 : i32
    %dma_start3A_36 = arith.constant 0 : i32
    %dma_start3A_37 = tpu.memref_slice %arg6[%dma_start3A_33, %dma_start3A_35, %dma_start3A_36] : memref<4x200x128xf32, #tpu.memory_space<vmem>> -> memref<1x128x128xf32, #tpu.memory_space<vmem>>
    %dma_start3A_38 = tpu.memref_squeeze %dma_start3A_37 : memref<1x128x128xf32, #tpu.memory_space<vmem>> -> memref<128x128xf32, #tpu.memory_space<vmem>>
    %dma_start3A_39 = arith.constant 0 : i32
    %dma_start3A_40 = tpu.memref_slice %arg5[%dma_start3A_32, %dma_start3A_39] : memref<32x200xi32, #tpu.memory_space<vmem>> -> memref<1x128xi32, #tpu.memory_space<vmem>>
    %dma_start3A_41 = tpu.memref_squeeze %dma_start3A_40 : memref<1x128xi32, #tpu.memory_space<vmem>> -> memref<128xi32, #tpu.memory_space<vmem>>
    %dma_start3A_42 = arith.constant 0 : i32
    %dma_start3A_43 = arith.constant 0 : i32
    %dma_start3A_44 = tpu.memref_slice %arg3[%dma_start3A_42, %dma_start3A_43] : memref<100000x128xf32, #tpu.memory_space<hbm>> -> memref<100000x128xf32, #tpu.memory_space<hbm>>
    %dma_start3A_45 = tpu.memref_slice %arg7[%dma_start3A_34] : memref<4x!tpu.dma_semaphore, #tpu.memory_space<semaphore_mem>> -> memref<1x!tpu.dma_semaphore, #tpu.memory_space<semaphore_mem>>
    %dma_start3A_46 = tpu.memref_squeeze %dma_start3A_45 : memref<1x!tpu.dma_semaphore, #tpu.memory_space<semaphore_mem>> -> memref<!tpu.dma_semaphore, #tpu.memory_space<semaphore_mem>>
    tpu.enqueue_indirect_dma source(%dma_start3A_44 : memref<100000x128xf32, #tpu.memory_space<hbm>>) target(%dma_start3A_38 : memref<128x128xf32, #tpu.memory_space<vmem>>) offsets(%dma_start3A_41 : memref<128xi32, #tpu.memory_space<vmem>>) semaphore(%dma_start3A_46 : memref<!tpu.dma_semaphore, #tpu.memory_space<semaphore_mem>>)
    %dma_start3A_47 = arith.constant 1 : i32
    %dma_start3A_48 = arith.constant 1 : i32
    %dma_start3A_49 = arith.constant 1 : i32
    %dma_start3A_50 = arith.constant 128 : i32
    %dma_start3A_51 = arith.constant 0 : i32
    %dma_start3A_52 = tpu.memref_slice %arg6[%dma_start3A_48, %dma_start3A_50, %dma_start3A_51] : memref<4x200x128xf32, #tpu.memory_space<vmem>> -> memref<1x72x128xf32, #tpu.memory_space<vmem>>
    %dma_start3A_53 = tpu.memref_squeeze %dma_start3A_52 : memref<1x72x128xf32, #tpu.memory_space<vmem>> -> memref<72x128xf32, #tpu.memory_space<vmem>>
    %dma_start3A_54 = arith.constant 128 : i32
    %dma_start3A_55 = tpu.memref_slice %arg5[%dma_start3A_47, %dma_start3A_54] : memref<32x200xi32, #tpu.memory_space<vmem>> -> memref<1x72xi32, #tpu.memory_space<vmem>>
    %dma_start3A_56 = tpu.memref_squeeze %dma_start3A_55 : memref<1x72xi32, #tpu.memory_space<vmem>> -> memref<72xi32, #tpu.memory_space<vmem>>
    %dma_start3A_57 = arith.constant 0 : i32
    %dma_start3A_58 = arith.constant 0 : i32
    %dma_start3A_59 = tpu.memref_slice %arg3[%dma_start3A_57, %dma_start3A_58] : memref<100000x128xf32, #tpu.memory_space<hbm>> -> memref<100000x128xf32, #tpu.memory_space<hbm>>
    %dma_start3A_60 = tpu.memref_slice %arg7[%dma_start3A_49] : memref<4x!tpu.dma_semaphore, #tpu.memory_space<semaphore_mem>> -> memref<1x!tpu.dma_semaphore, #tpu.memory_space<semaphore_mem>>
    %dma_start3A_61 = tpu.memref_squeeze %dma_start3A_60 : memref<1x!tpu.dma_semaphore, #tpu.memory_space<semaphore_mem>> -> memref<!tpu.dma_semaphore, #tpu.memory_space<semaphore_mem>>
    tpu.enqueue_indirect_dma source(%dma_start3A_59 : memref<100000x128xf32, #tpu.memory_space<hbm>>) target(%dma_start3A_53 : memref<72x128xf32, #tpu.memory_space<vmem>>) offsets(%dma_start3A_56 : memref<72xi32, #tpu.memory_space<vmem>>) semaphore(%dma_start3A_61 : memref<!tpu.dma_semaphore, #tpu.memory_space<semaphore_mem>>)
    %dma_start3A_62 = arith.constant 2 : i32
    %dma_start3A_63 = arith.constant 2 : i32
    %dma_start3A_64 = arith.constant 2 : i32
    %dma_start3A_65 = arith.constant 0 : i32
    %dma_start3A_66 = arith.constant 0 : i32
    %dma_start3A_67 = tpu.memref_slice %arg6[%dma_start3A_63, %dma_start3A_65, %dma_start3A_66] : memref<4x200x128xf32, #tpu.memory_space<vmem>> -> memref<1x128x128xf32, #tpu.memory_space<vmem>>
    %dma_start3A_68 = tpu.memref_squeeze %dma_start3A_67 : memref<1x128x128xf32, #tpu.memory_space<vmem>> -> memref<128x128xf32, #tpu.memory_space<vmem>>
    %dma_start3A_69 = arith.constant 0 : i32
    %dma_start3A_70 = tpu.memref_slice %arg5[%dma_start3A_62, %dma_start3A_69] : memref<32x200xi32, #tpu.memory_space<vmem>> -> memref<1x128xi32, #tpu.memory_space<vmem>>
    %dma_start3A_71 = tpu.memref_squeeze %dma_start3A_70 : memref<1x128xi32, #tpu.memory_space<vmem>> -> memref<128xi32, #tpu.memory_space<vmem>>
    %dma_start3A_72 = arith.constant 0 : i32
    %dma_start3A_73 = arith.constant 0 : i32
    %dma_start3A_74 = tpu.memref_slice %arg3[%dma_start3A_72, %dma_start3A_73] : memref<100000x128xf32, #tpu.memory_space<hbm>> -> memref<100000x128xf32, #tpu.memory_space<hbm>>
    %dma_start3A_75 = tpu.memref_slice %arg7[%dma_start3A_64] : memref<4x!tpu.dma_semaphore, #tpu.memory_space<semaphore_mem>> -> memref<1x!tpu.dma_semaphore, #tpu.memory_space<semaphore_mem>>
    %dma_start3A_76 = tpu.memref_squeeze %dma_start3A_75 : memref<1x!tpu.dma_semaphore, #tpu.memory_space<semaphore_mem>> -> memref<!tpu.dma_semaphore, #tpu.memory_space<semaphore_mem>>
    tpu.enqueue_indirect_dma source(%dma_start3A_74 : memref<100000x128xf32, #tpu.memory_space<hbm>>) target(%dma_start3A_68 : memref<128x128xf32, #tpu.memory_space<vmem>>) offsets(%dma_start3A_71 : memref<128xi32, #tpu.memory_space<vmem>>) semaphore(%dma_start3A_76 : memref<!tpu.dma_semaphore, #tpu.memory_space<semaphore_mem>>)
    %dma_start3A_77 = arith.constant 2 : i32
    %dma_start3A_78 = arith.constant 2 : i32
    %dma_start3A_79 = arith.constant 2 : i32
    %dma_start3A_80 = arith.constant 128 : i32
    %dma_start3A_81 = arith.constant 0 : i32
    %dma_start3A_82 = tpu.memref_slice %arg6[%dma_start3A_78, %dma_start3A_80, %dma_start3A_81] : memref<4x200x128xf32, #tpu.memory_space<vmem>> -> memref<1x72x128xf32, #tpu.memory_space<vmem>>
    %dma_start3A_83 = tpu.memref_squeeze %dma_start3A_82 : memref<1x72x128xf32, #tpu.memory_space<vmem>> -> memref<72x128xf32, #tpu.memory_space<vmem>>
    %dma_start3A_84 = arith.constant 128 : i32
    %dma_start3A_85 = tpu.memref_slice %arg5[%dma_start3A_77, %dma_start3A_84] : memref<32x200xi32, #tpu.memory_space<vmem>> -> memref<1x72xi32, #tpu.memory_space<vmem>>
    %dma_start3A_86 = tpu.memref_squeeze %dma_start3A_85 : memref<1x72xi32, #tpu.memory_space<vmem>> -> memref<72xi32, #tpu.memory_space<vmem>>
    %dma_start3A_87 = arith.constant 0 : i32
    %dma_start3A_88 = arith.constant 0 : i32
    %dma_start3A_89 = tpu.memref_slice %arg3[%dma_start3A_87, %dma_start3A_88] : memref<100000x128xf32, #tpu.memory_space<hbm>> -> memref<100000x128xf32, #tpu.memory_space<hbm>>
    %dma_start3A_90 = tpu.memref_slice %arg7[%dma_start3A_79] : memref<4x!tpu.dma_semaphore, #tpu.memory_space<semaphore_mem>> -> memref<1x!tpu.dma_semaphore, #tpu.memory_space<semaphore_mem>>
    %dma_start3A_91 = tpu.memref_squeeze %dma_start3A_90 : memref<1x!tpu.dma_semaphore, #tpu.memory_space<semaphore_mem>> -> memref<!tpu.dma_semaphore, #tpu.memory_space<semaphore_mem>>
    tpu.enqueue_indirect_dma source(%dma_start3A_89 : memref<100000x128xf32, #tpu.memory_space<hbm>>) target(%dma_start3A_83 : memref<72x128xf32, #tpu.memory_space<vmem>>) offsets(%dma_start3A_86 : memref<72xi32, #tpu.memory_space<vmem>>) semaphore(%dma_start3A_91 : memref<!tpu.dma_semaphore, #tpu.memory_space<semaphore_mem>>)
    %dma_start3A_92 = arith.constant 3 : i32
    %dma_start3A_93 = arith.constant 3 : i32
    %dma_start3A_94 = arith.constant 3 : i32
    %dma_start3A_95 = arith.constant 0 : i32
    %dma_start3A_96 = arith.constant 0 : i32
    %dma_start3A_97 = tpu.memref_slice %arg6[%dma_start3A_93, %dma_start3A_95, %dma_start3A_96] : memref<4x200x128xf32, #tpu.memory_space<vmem>> -> memref<1x128x128xf32, #tpu.memory_space<vmem>>
    %dma_start3A_98 = tpu.memref_squeeze %dma_start3A_97 : memref<1x128x128xf32, #tpu.memory_space<vmem>> -> memref<128x128xf32, #tpu.memory_space<vmem>>
    %dma_start3A_99 = arith.constant 0 : i32
    %dma_start3A_100 = tpu.memref_slice %arg5[%dma_start3A_92, %dma_start3A_99] : memref<32x200xi32, #tpu.memory_space<vmem>> -> memref<1x128xi32, #tpu.memory_space<vmem>>
    %dma_start3A_101 = tpu.memref_squeeze %dma_start3A_100 : memref<1x128xi32, #tpu.memory_space<vmem>> -> memref<128xi32, #tpu.memory_space<vmem>>
    %dma_start3A_102 = arith.constant 0 : i32
    %dma_start3A_103 = arith.constant 0 : i32
    %dma_start3A_104 = tpu.memref_slice %arg3[%dma_start3A_102, %dma_start3A_103] : memref<100000x128xf32, #tpu.memory_space<hbm>> -> memref<100000x128xf32, #tpu.memory_space<hbm>>
    %dma_start3A_105 = tpu.memref_slice %arg7[%dma_start3A_94] : memref<4x!tpu.dma_semaphore, #tpu.memory_space<semaphore_mem>> -> memref<1x!tpu.dma_semaphore, #tpu.memory_space<semaphore_mem>>
    %dma_start3A_106 = tpu.memref_squeeze %dma_start3A_105 : memref<1x!tpu.dma_semaphore, #tpu.memory_space<semaphore_mem>> -> memref<!tpu.dma_semaphore, #tpu.memory_space<semaphore_mem>>
    tpu.enqueue_indirect_dma source(%dma_start3A_104 : memref<100000x128xf32, #tpu.memory_space<hbm>>) target(%dma_start3A_98 : memref<128x128xf32, #tpu.memory_space<vmem>>) offsets(%dma_start3A_101 : memref<128xi32, #tpu.memory_space<vmem>>) semaphore(%dma_start3A_106 : memref<!tpu.dma_semaphore, #tpu.memory_space<semaphore_mem>>)
    %dma_start3A_107 = arith.constant 3 : i32
    %dma_start3A_108 = arith.constant 3 : i32
    %dma_start3A_109 = arith.constant 3 : i32
    %dma_start3A_110 = arith.constant 128 : i32
    %dma_start3A_111 = arith.constant 0 : i32
    %dma_start3A_112 = tpu.memref_slice %arg6[%dma_start3A_108, %dma_start3A_110, %dma_start3A_111] : memref<4x200x128xf32, #tpu.memory_space<vmem>> -> memref<1x72x128xf32, #tpu.memory_space<vmem>>
    %dma_start3A_113 = tpu.memref_squeeze %dma_start3A_112 : memref<1x72x128xf32, #tpu.memory_space<vmem>> -> memref<72x128xf32, #tpu.memory_space<vmem>>
    %dma_start3A_114 = arith.constant 128 : i32
    %dma_start3A_115 = tpu.memref_slice %arg5[%dma_start3A_107, %dma_start3A_114] : memref<32x200xi32, #tpu.memory_space<vmem>> -> memref<1x72xi32, #tpu.memory_space<vmem>>
    %dma_start3A_116 = tpu.memref_squeeze %dma_start3A_115 : memref<1x72xi32, #tpu.memory_space<vmem>> -> memref<72xi32, #tpu.memory_space<vmem>>
    %dma_start3A_117 = arith.constant 0 : i32
    %dma_start3A_118 = arith.constant 0 : i32
    %dma_start3A_119 = tpu.memref_slice %arg3[%dma_start3A_117, %dma_start3A_118] : memref<100000x128xf32, #tpu.memory_space<hbm>> -> memref<100000x128xf32, #tpu.memory_space<hbm>>
    %dma_start3A_120 = tpu.memref_slice %arg7[%dma_start3A_109] : memref<4x!tpu.dma_semaphore, #tpu.memory_space<semaphore_mem>> -> memref<1x!tpu.dma_semaphore, #tpu.memory_space<semaphore_mem>>
    %dma_start3A_121 = tpu.memref_squeeze %dma_start3A_120 : memref<1x!tpu.dma_semaphore, #tpu.memory_space<semaphore_mem>> -> memref<!tpu.dma_semaphore, #tpu.memory_space<semaphore_mem>>
    tpu.enqueue_indirect_dma source(%dma_start3A_119 : memref<100000x128xf32, #tpu.memory_space<hbm>>) target(%dma_start3A_113 : memref<72x128xf32, #tpu.memory_space<vmem>>) offsets(%dma_start3A_116 : memref<72xi32, #tpu.memory_space<vmem>>) semaphore(%dma_start3A_121 : memref<!tpu.dma_semaphore, #tpu.memory_space<semaphore_mem>>)
    %scan3A = arith.constant 0 : i32
    %scan3A_122 = arith.constant 8 : i32
    %scan3A_123 = arith.addi %scan3A, %scan3A_122 : i32
    %scan3A_124 = arith.constant 1 : i32
    scf.for %scan3A_205 = %scan3A to %scan3A_123 step %scan3A_124  : i32 {
      %mul3A_206 = arith.constant 4 : i32
      %mul3A_207 = arith.muli %scan3A_205, %mul3A_206 : i32
      %add3A_208 = arith.constant 0 : i32
      %add3A_209 = arith.addi %add3A_208, %mul3A_207 : i32
      %add3A_210 = arith.constant 0 : i32
      %add3A_211 = arith.addi %add3A_209, %add3A_210 : i32
      %dma_wait3A_212 = arith.constant 0 : i32
      %dma_wait3A_213 = arith.constant 0 : i32
      %dma_wait3A_214 = arith.constant 0 : i32
      %dma_wait3A_215 = arith.constant 0 : i32
      %dma_wait3A_216 = arith.constant 0 : i32
      %dma_wait3A_217 = tpu.memref_slice %arg6[%dma_wait3A_213, %dma_wait3A_215, %dma_wait3A_216] : memref<4x200x128xf32, #tpu.memory_space<vmem>> -> memref<1x200x128xf32, #tpu.memory_space<vmem>>
      %dma_wait3A_218 = tpu.memref_squeeze %dma_wait3A_217 : memref<1x200x128xf32, #tpu.memory_space<vmem>> -> memref<200x128xf32, #tpu.memory_space<vmem>>
      %dma_wait3A_219 = arith.constant 0 : i32
      %dma_wait3A_220 = tpu.memref_slice %arg5[%dma_wait3A_212, %dma_wait3A_219] : memref<32x200xi32, #tpu.memory_space<vmem>> -> memref<1x200xi32, #tpu.memory_space<vmem>>
      %dma_wait3A_221 = tpu.memref_squeeze %dma_wait3A_220 : memref<1x200xi32, #tpu.memory_space<vmem>> -> memref<200xi32, #tpu.memory_space<vmem>>
      %dma_wait3A_222 = arith.constant 0 : i32
      %dma_wait3A_223 = arith.constant 0 : i32
      %dma_wait3A_224 = tpu.memref_slice %arg3[%dma_wait3A_222, %dma_wait3A_223] : memref<100000x128xf32, #tpu.memory_space<hbm>> -> memref<100000x128xf32, #tpu.memory_space<hbm>>
      %dma_wait3A_225 = tpu.memref_slice %arg7[%dma_wait3A_214] : memref<4x!tpu.dma_semaphore, #tpu.memory_space<semaphore_mem>> -> memref<1x!tpu.dma_semaphore, #tpu.memory_space<semaphore_mem>>
      %dma_wait3A_226 = tpu.memref_squeeze %dma_wait3A_225 : memref<1x!tpu.dma_semaphore, #tpu.memory_space<semaphore_mem>> -> memref<!tpu.dma_semaphore, #tpu.memory_space<semaphore_mem>>
      tpu.wait_indirect_dma semaphore(%dma_wait3A_226 : memref<!tpu.dma_semaphore, #tpu.memory_space<semaphore_mem>>) src(%dma_wait3A_224 : memref<100000x128xf32, #tpu.memory_space<hbm>>) dst(%dma_wait3A_218 : memref<200x128xf32, #tpu.memory_space<vmem>>)
      %add3A_227 = arith.addi %mul3A_2, %add3A_211 : i32
      %dma_start3A_228 = arith.constant 0 : i32
      %dma_start3A_229 = arith.constant 0 : i32
      %dma_start3A_230 = arith.constant 0 : i32
      %dma_start3A_231 = arith.constant 0 : i32
      %dma_start3A_232 = tpu.memref_slice %arg6[%dma_start3A_228, %dma_start3A_230, %dma_start3A_231] : memref<4x200x128xf32, #tpu.memory_space<vmem>> -> memref<1x200x128xf32, #tpu.memory_space<vmem>>
      %dma_start3A_233 = tpu.memref_squeeze %dma_start3A_232 : memref<1x200x128xf32, #tpu.memory_space<vmem>> -> memref<200x128xf32, #tpu.memory_space<vmem>>
      %dma_start3A_234 = arith.constant 0 : i32
      %dma_start3A_235 = arith.constant 0 : i32
      %dma_start3A_236 = tpu.memref_slice %arg4[%add3A_227, %dma_start3A_234, %dma_start3A_235] : memref<1024x200x128xf32, #tpu.memory_space<hbm>> -> memref<1x200x128xf32, #tpu.memory_space<hbm>>
      %dma_start3A_237 = tpu.memref_squeeze %dma_start3A_236 : memref<1x200x128xf32, #tpu.memory_space<hbm>> -> memref<200x128xf32, #tpu.memory_space<hbm>>
      %dma_start3A_238 = tpu.memref_slice %arg8[%dma_start3A_229] : memref<4x!tpu.dma_semaphore, #tpu.memory_space<semaphore_mem>> -> memref<1x!tpu.dma_semaphore, #tpu.memory_space<semaphore_mem>>
      %dma_start3A_239 = tpu.memref_squeeze %dma_start3A_238 : memref<1x!tpu.dma_semaphore, #tpu.memory_space<semaphore_mem>> -> memref<!tpu.dma_semaphore, #tpu.memory_space<semaphore_mem>>
      %dma_start3A_240 = arith.constant 0 : i32
      %dma_start3A_241 = arith.constant 0 : i32
      %dma_start3A_242 = tpu.memref_slice %arg4[%add3A_227, %dma_start3A_240, %dma_start3A_241] : memref<1024x200x128xf32, #tpu.memory_space<hbm>> -> memref<1x200x128xf32, #tpu.memory_space<hbm>>
      %dma_start3A_243 = tpu.memref_squeeze %dma_start3A_242 : memref<1x200x128xf32, #tpu.memory_space<hbm>> -> memref<200x128xf32, #tpu.memory_space<hbm>>
      %dma_start3A_244 = arith.constant 0 : i32
      %dma_start3A_245 = arith.constant 0 : i32
      %dma_start3A_246 = tpu.memref_slice %arg6[%dma_start3A_228, %dma_start3A_244, %dma_start3A_245] : memref<4x200x128xf32, #tpu.memory_space<vmem>> -> memref<1x200x128xf32, #tpu.memory_space<vmem>>
      %dma_start3A_247 = tpu.memref_squeeze %dma_start3A_246 : memref<1x200x128xf32, #tpu.memory_space<vmem>> -> memref<200x128xf32, #tpu.memory_space<vmem>>
      tpu.enqueue_dma source(%dma_start3A_247 : memref<200x128xf32, #tpu.memory_space<vmem>>) target(%dma_start3A_243 : memref<200x128xf32, #tpu.memory_space<hbm>>) target_semaphore(%dma_start3A_239 : memref<!tpu.dma_semaphore, #tpu.memory_space<semaphore_mem>>)
      %sub3A = arith.constant 2 : i32
      %sub3A_248 = arith.subi %add3A_211, %sub3A : i32
      %add3A_249 = arith.constant 4 : i32
      %add3A_250 = arith.addi %sub3A_248, %add3A_249 : i32
      %ge3A = arith.constant 0 : i32
      %ge3A_251 = arith.cmpi sge, %sub3A_248, %ge3A : i32
      %lt3A = arith.constant 32 : i32
      %lt3A_252 = arith.cmpi slt, %add3A_250, %lt3A : i32
      %and3A = arith.andi %ge3A_251, %lt3A_252 : i1
      %convert_element_type3A = arith.extui %and3A : i1 to i32
      %cond3A = arith.constant 0 : i32
      %cond3A_253 = arith.cmpi ne, %convert_element_type3A, %cond3A : i32
      scf.if %cond3A_253 {
        %dma_wait3A_404 = arith.constant 2 : i32
        %dma_wait3A_405 = arith.constant 2 : i32
        %dma_wait3A_406 = arith.constant 0 : i32
        %dma_wait3A_407 = arith.constant 0 : i32
        %dma_wait3A_408 = tpu.memref_slice %arg6[%dma_wait3A_404, %dma_wait3A_406, %dma_wait3A_407] : memref<4x200x128xf32, #tpu.memory_space<vmem>> -> memref<1x200x128xf32, #tpu.memory_space<vmem>>
        %dma_wait3A_409 = tpu.memref_squeeze %dma_wait3A_408 : memref<1x200x128xf32, #tpu.memory_space<vmem>> -> memref<200x128xf32, #tpu.memory_space<vmem>>
        %dma_wait3A_410 = arith.constant 0 : i32
        %dma_wait3A_411 = arith.constant 0 : i32
        %dma_wait3A_412 = tpu.memref_slice %arg4[%mul3A_2, %dma_wait3A_410, %dma_wait3A_411] : memref<1024x200x128xf32, #tpu.memory_space<hbm>> -> memref<1x200x128xf32, #tpu.memory_space<hbm>>
        %dma_wait3A_413 = tpu.memref_squeeze %dma_wait3A_412 : memref<1x200x128xf32, #tpu.memory_space<hbm>> -> memref<200x128xf32, #tpu.memory_space<hbm>>
        %dma_wait3A_414 = tpu.memref_slice %arg8[%dma_wait3A_405] : memref<4x!tpu.dma_semaphore, #tpu.memory_space<semaphore_mem>> -> memref<1x!tpu.dma_semaphore, #tpu.memory_space<semaphore_mem>>
        %dma_wait3A_415 = tpu.memref_squeeze %dma_wait3A_414 : memref<1x!tpu.dma_semaphore, #tpu.memory_space<semaphore_mem>> -> memref<!tpu.dma_semaphore, #tpu.memory_space<semaphore_mem>>
        %dma_wait3A_416 = arith.constant 0 : i32
        %dma_wait3A_417 = arith.constant 0 : i32
        %dma_wait3A_418 = tpu.memref_slice %arg4[%mul3A_2, %dma_wait3A_416, %dma_wait3A_417] : memref<1024x200x128xf32, #tpu.memory_space<hbm>> -> memref<1x200x128xf32, #tpu.memory_space<hbm>>
        %dma_wait3A_419 = tpu.memref_squeeze %dma_wait3A_418 : memref<1x200x128xf32, #tpu.memory_space<hbm>> -> memref<200x128xf32, #tpu.memory_space<hbm>>
        %dma_wait3A_420 = arith.constant 0 : i32
        %dma_wait3A_421 = arith.constant 0 : i32
        %dma_wait3A_422 = tpu.memref_slice %arg6[%dma_wait3A_404, %dma_wait3A_420, %dma_wait3A_421] : memref<4x200x128xf32, #tpu.memory_space<vmem>> -> memref<1x200x128xf32, #tpu.memory_space<vmem>>
        %dma_wait3A_423 = tpu.memref_squeeze %dma_wait3A_422 : memref<1x200x128xf32, #tpu.memory_space<vmem>> -> memref<200x128xf32, #tpu.memory_space<vmem>>
        tpu.wait_dma2 semaphore(%dma_wait3A_415 : memref<!tpu.dma_semaphore, #tpu.memory_space<semaphore_mem>>) src(%dma_wait3A_423 : memref<200x128xf32, #tpu.memory_space<vmem>>) dst(%dma_wait3A_419 : memref<200x128xf32, #tpu.memory_space<hbm>>)
        %dma_start3A_424 = arith.constant 2 : i32
        %dma_start3A_425 = arith.constant 2 : i32
        %dma_start3A_426 = arith.constant 0 : i32
        %dma_start3A_427 = arith.constant 0 : i32
        %dma_start3A_428 = tpu.memref_slice %arg6[%dma_start3A_424, %dma_start3A_426, %dma_start3A_427] : memref<4x200x128xf32, #tpu.memory_space<vmem>> -> memref<1x128x128xf32, #tpu.memory_space<vmem>>
        %dma_start3A_429 = tpu.memref_squeeze %dma_start3A_428 : memref<1x128x128xf32, #tpu.memory_space<vmem>> -> memref<128x128xf32, #tpu.memory_space<vmem>>
        %dma_start3A_430 = arith.constant 0 : i32
        %dma_start3A_431 = tpu.memref_slice %arg5[%add3A_250, %dma_start3A_430] : memref<32x200xi32, #tpu.memory_space<vmem>> -> memref<1x128xi32, #tpu.memory_space<vmem>>
        %dma_start3A_432 = tpu.memref_squeeze %dma_start3A_431 : memref<1x128xi32, #tpu.memory_space<vmem>> -> memref<128xi32, #tpu.memory_space<vmem>>
        %dma_start3A_433 = arith.constant 0 : i32
        %dma_start3A_434 = arith.constant 0 : i32
        %dma_start3A_435 = tpu.memref_slice %arg3[%dma_start3A_433, %dma_start3A_434] : memref<100000x128xf32, #tpu.memory_space<hbm>> -> memref<100000x128xf32, #tpu.memory_space<hbm>>
        %dma_start3A_436 = tpu.memref_slice %arg7[%dma_start3A_425] : memref<4x!tpu.dma_semaphore, #tpu.memory_space<semaphore_mem>> -> memref<1x!tpu.dma_semaphore, #tpu.memory_space<semaphore_mem>>
        %dma_start3A_437 = tpu.memref_squeeze %dma_start3A_436 : memref<1x!tpu.dma_semaphore, #tpu.memory_space<semaphore_mem>> -> memref<!tpu.dma_semaphore, #tpu.memory_space<semaphore_mem>>
        tpu.enqueue_indirect_dma source(%dma_start3A_435 : memref<100000x128xf32, #tpu.memory_space<hbm>>) target(%dma_start3A_429 : memref<128x128xf32, #tpu.memory_space<vmem>>) offsets(%dma_start3A_432 : memref<128xi32, #tpu.memory_space<vmem>>) semaphore(%dma_start3A_437 : memref<!tpu.dma_semaphore, #tpu.memory_space<semaphore_mem>>)
        %dma_start3A_438 = arith.constant 2 : i32
        %dma_start3A_439 = arith.constant 2 : i32
        %dma_start3A_440 = arith.constant 128 : i32
        %dma_start3A_441 = arith.constant 0 : i32
        %dma_start3A_442 = tpu.memref_slice %arg6[%dma_start3A_438, %dma_start3A_440, %dma_start3A_441] : memref<4x200x128xf32, #tpu.memory_space<vmem>> -> memref<1x72x128xf32, #tpu.memory_space<vmem>>
        %dma_start3A_443 = tpu.memref_squeeze %dma_start3A_442 : memref<1x72x128xf32, #tpu.memory_space<vmem>> -> memref<72x128xf32, #tpu.memory_space<vmem>>
        %dma_start3A_444 = arith.constant 128 : i32
        %dma_start3A_445 = tpu.memref_slice %arg5[%add3A_250, %dma_start3A_444] : memref<32x200xi32, #tpu.memory_space<vmem>> -> memref<1x72xi32, #tpu.memory_space<vmem>>
        %dma_start3A_446 = tpu.memref_squeeze %dma_start3A_445 : memref<1x72xi32, #tpu.memory_space<vmem>> -> memref<72xi32, #tpu.memory_space<vmem>>
        %dma_start3A_447 = arith.constant 0 : i32
        %dma_start3A_448 = arith.constant 0 : i32
        %dma_start3A_449 = tpu.memref_slice %arg3[%dma_start3A_447, %dma_start3A_448] : memref<100000x128xf32, #tpu.memory_space<hbm>> -> memref<100000x128xf32, #tpu.memory_space<hbm>>
        %dma_start3A_450 = tpu.memref_slice %arg7[%dma_start3A_439] : memref<4x!tpu.dma_semaphore, #tpu.memory_space<semaphore_mem>> -> memref<1x!tpu.dma_semaphore, #tpu.memory_space<semaphore_mem>>
        %dma_start3A_451 = tpu.memref_squeeze %dma_start3A_450 : memref<1x!tpu.dma_semaphore, #tpu.memory_space<semaphore_mem>> -> memref<!tpu.dma_semaphore, #tpu.memory_space<semaphore_mem>>
        tpu.enqueue_indirect_dma source(%dma_start3A_449 : memref<100000x128xf32, #tpu.memory_space<hbm>>) target(%dma_start3A_443 : memref<72x128xf32, #tpu.memory_space<vmem>>) offsets(%dma_start3A_446 : memref<72xi32, #tpu.memory_space<vmem>>) semaphore(%dma_start3A_451 : memref<!tpu.dma_semaphore, #tpu.memory_space<semaphore_mem>>)
      } else {
      }
      %add3A_254 = arith.constant 1 : i32
      %add3A_255 = arith.addi %add3A_209, %add3A_254 : i32
      %dma_wait3A_256 = arith.constant 0 : i32
      %dma_wait3A_257 = arith.constant 1 : i32
      %dma_wait3A_258 = arith.constant 1 : i32
      %dma_wait3A_259 = arith.constant 0 : i32
      %dma_wait3A_260 = arith.constant 0 : i32
      %dma_wait3A_261 = tpu.memref_slice %arg6[%dma_wait3A_257, %dma_wait3A_259, %dma_wait3A_260] : memref<4x200x128xf32, #tpu.memory_space<vmem>> -> memref<1x200x128xf32, #tpu.memory_space<vmem>>
      %dma_wait3A_262 = tpu.memref_squeeze %dma_wait3A_261 : memref<1x200x128xf32, #tpu.memory_space<vmem>> -> memref<200x128xf32, #tpu.memory_space<vmem>>
      %dma_wait3A_263 = arith.constant 0 : i32
      %dma_wait3A_264 = tpu.memref_slice %arg5[%dma_wait3A_256, %dma_wait3A_263] : memref<32x200xi32, #tpu.memory_space<vmem>> -> memref<1x200xi32, #tpu.memory_space<vmem>>
      %dma_wait3A_265 = tpu.memref_squeeze %dma_wait3A_264 : memref<1x200xi32, #tpu.memory_space<vmem>> -> memref<200xi32, #tpu.memory_space<vmem>>
      %dma_wait3A_266 = arith.constant 0 : i32
      %dma_wait3A_267 = arith.constant 0 : i32
      %dma_wait3A_268 = tpu.memref_slice %arg3[%dma_wait3A_266, %dma_wait3A_267] : memref<100000x128xf32, #tpu.memory_space<hbm>> -> memref<100000x128xf32, #tpu.memory_space<hbm>>
      %dma_wait3A_269 = tpu.memref_slice %arg7[%dma_wait3A_258] : memref<4x!tpu.dma_semaphore, #tpu.memory_space<semaphore_mem>> -> memref<1x!tpu.dma_semaphore, #tpu.memory_space<semaphore_mem>>
      %dma_wait3A_270 = tpu.memref_squeeze %dma_wait3A_269 : memref<1x!tpu.dma_semaphore, #tpu.memory_space<semaphore_mem>> -> memref<!tpu.dma_semaphore, #tpu.memory_space<semaphore_mem>>
      tpu.wait_indirect_dma semaphore(%dma_wait3A_270 : memref<!tpu.dma_semaphore, #tpu.memory_space<semaphore_mem>>) src(%dma_wait3A_268 : memref<100000x128xf32, #tpu.memory_space<hbm>>) dst(%dma_wait3A_262 : memref<200x128xf32, #tpu.memory_space<vmem>>)
      %add3A_271 = arith.addi %mul3A_2, %add3A_255 : i32
      %dma_start3A_272 = arith.constant 1 : i32
      %dma_start3A_273 = arith.constant 1 : i32
      %dma_start3A_274 = arith.constant 0 : i32
      %dma_start3A_275 = arith.constant 0 : i32
      %dma_start3A_276 = tpu.memref_slice %arg6[%dma_start3A_272, %dma_start3A_274, %dma_start3A_275] : memref<4x200x128xf32, #tpu.memory_space<vmem>> -> memref<1x200x128xf32, #tpu.memory_space<vmem>>
      %dma_start3A_277 = tpu.memref_squeeze %dma_start3A_276 : memref<1x200x128xf32, #tpu.memory_space<vmem>> -> memref<200x128xf32, #tpu.memory_space<vmem>>
      %dma_start3A_278 = arith.constant 0 : i32
      %dma_start3A_279 = arith.constant 0 : i32
      %dma_start3A_280 = tpu.memref_slice %arg4[%add3A_271, %dma_start3A_278, %dma_start3A_279] : memref<1024x200x128xf32, #tpu.memory_space<hbm>> -> memref<1x200x128xf32, #tpu.memory_space<hbm>>
      %dma_start3A_281 = tpu.memref_squeeze %dma_start3A_280 : memref<1x200x128xf32, #tpu.memory_space<hbm>> -> memref<200x128xf32, #tpu.memory_space<hbm>>
      %dma_start3A_282 = tpu.memref_slice %arg8[%dma_start3A_273] : memref<4x!tpu.dma_semaphore, #tpu.memory_space<semaphore_mem>> -> memref<1x!tpu.dma_semaphore, #tpu.memory_space<semaphore_mem>>
      %dma_start3A_283 = tpu.memref_squeeze %dma_start3A_282 : memref<1x!tpu.dma_semaphore, #tpu.memory_space<semaphore_mem>> -> memref<!tpu.dma_semaphore, #tpu.memory_space<semaphore_mem>>
      %dma_start3A_284 = arith.constant 0 : i32
      %dma_start3A_285 = arith.constant 0 : i32
      %dma_start3A_286 = tpu.memref_slice %arg4[%add3A_271, %dma_start3A_284, %dma_start3A_285] : memref<1024x200x128xf32, #tpu.memory_space<hbm>> -> memref<1x200x128xf32, #tpu.memory_space<hbm>>
      %dma_start3A_287 = tpu.memref_squeeze %dma_start3A_286 : memref<1x200x128xf32, #tpu.memory_space<hbm>> -> memref<200x128xf32, #tpu.memory_space<hbm>>
      %dma_start3A_288 = arith.constant 0 : i32
      %dma_start3A_289 = arith.constant 0 : i32
      %dma_start3A_290 = tpu.memref_slice %arg6[%dma_start3A_272, %dma_start3A_288, %dma_start3A_289] : memref<4x200x128xf32, #tpu.memory_space<vmem>> -> memref<1x200x128xf32, #tpu.memory_space<vmem>>
      %dma_start3A_291 = tpu.memref_squeeze %dma_start3A_290 : memref<1x200x128xf32, #tpu.memory_space<vmem>> -> memref<200x128xf32, #tpu.memory_space<vmem>>
      tpu.enqueue_dma source(%dma_start3A_291 : memref<200x128xf32, #tpu.memory_space<vmem>>) target(%dma_start3A_287 : memref<200x128xf32, #tpu.memory_space<hbm>>) target_semaphore(%dma_start3A_283 : memref<!tpu.dma_semaphore, #tpu.memory_space<semaphore_mem>>)
      %sub3A_292 = arith.constant 2 : i32
      %sub3A_293 = arith.subi %add3A_255, %sub3A_292 : i32
      %add3A_294 = arith.constant 4 : i32
      %add3A_295 = arith.addi %sub3A_293, %add3A_294 : i32
      %ge3A_296 = arith.constant 0 : i32
      %ge3A_297 = arith.cmpi sge, %sub3A_293, %ge3A_296 : i32
      %lt3A_298 = arith.constant 32 : i32
      %lt3A_299 = arith.cmpi slt, %add3A_295, %lt3A_298 : i32
      %and3A_300 = arith.andi %ge3A_297, %lt3A_299 : i1
      %convert_element_type3A_301 = arith.extui %and3A_300 : i1 to i32
      %cond3A_302 = arith.constant 0 : i32
      %cond3A_303 = arith.cmpi ne, %convert_element_type3A_301, %cond3A_302 : i32
      scf.if %cond3A_303 {
        %dma_wait3A_404 = arith.constant 3 : i32
        %dma_wait3A_405 = arith.constant 3 : i32
        %dma_wait3A_406 = arith.constant 0 : i32
        %dma_wait3A_407 = arith.constant 0 : i32
        %dma_wait3A_408 = tpu.memref_slice %arg6[%dma_wait3A_404, %dma_wait3A_406, %dma_wait3A_407] : memref<4x200x128xf32, #tpu.memory_space<vmem>> -> memref<1x200x128xf32, #tpu.memory_space<vmem>>
        %dma_wait3A_409 = tpu.memref_squeeze %dma_wait3A_408 : memref<1x200x128xf32, #tpu.memory_space<vmem>> -> memref<200x128xf32, #tpu.memory_space<vmem>>
        %dma_wait3A_410 = arith.constant 0 : i32
        %dma_wait3A_411 = arith.constant 0 : i32
        %dma_wait3A_412 = tpu.memref_slice %arg4[%mul3A_2, %dma_wait3A_410, %dma_wait3A_411] : memref<1024x200x128xf32, #tpu.memory_space<hbm>> -> memref<1x200x128xf32, #tpu.memory_space<hbm>>
        %dma_wait3A_413 = tpu.memref_squeeze %dma_wait3A_412 : memref<1x200x128xf32, #tpu.memory_space<hbm>> -> memref<200x128xf32, #tpu.memory_space<hbm>>
        %dma_wait3A_414 = tpu.memref_slice %arg8[%dma_wait3A_405] : memref<4x!tpu.dma_semaphore, #tpu.memory_space<semaphore_mem>> -> memref<1x!tpu.dma_semaphore, #tpu.memory_space<semaphore_mem>>
        %dma_wait3A_415 = tpu.memref_squeeze %dma_wait3A_414 : memref<1x!tpu.dma_semaphore, #tpu.memory_space<semaphore_mem>> -> memref<!tpu.dma_semaphore, #tpu.memory_space<semaphore_mem>>
        %dma_wait3A_416 = arith.constant 0 : i32
        %dma_wait3A_417 = arith.constant 0 : i32
        %dma_wait3A_418 = tpu.memref_slice %arg4[%mul3A_2, %dma_wait3A_416, %dma_wait3A_417] : memref<1024x200x128xf32, #tpu.memory_space<hbm>> -> memref<1x200x128xf32, #tpu.memory_space<hbm>>
        %dma_wait3A_419 = tpu.memref_squeeze %dma_wait3A_418 : memref<1x200x128xf32, #tpu.memory_space<hbm>> -> memref<200x128xf32, #tpu.memory_space<hbm>>
        %dma_wait3A_420 = arith.constant 0 : i32
        %dma_wait3A_421 = arith.constant 0 : i32
        %dma_wait3A_422 = tpu.memref_slice %arg6[%dma_wait3A_404, %dma_wait3A_420, %dma_wait3A_421] : memref<4x200x128xf32, #tpu.memory_space<vmem>> -> memref<1x200x128xf32, #tpu.memory_space<vmem>>
        %dma_wait3A_423 = tpu.memref_squeeze %dma_wait3A_422 : memref<1x200x128xf32, #tpu.memory_space<vmem>> -> memref<200x128xf32, #tpu.memory_space<vmem>>
        tpu.wait_dma2 semaphore(%dma_wait3A_415 : memref<!tpu.dma_semaphore, #tpu.memory_space<semaphore_mem>>) src(%dma_wait3A_423 : memref<200x128xf32, #tpu.memory_space<vmem>>) dst(%dma_wait3A_419 : memref<200x128xf32, #tpu.memory_space<hbm>>)
        %dma_start3A_424 = arith.constant 3 : i32
        %dma_start3A_425 = arith.constant 3 : i32
        %dma_start3A_426 = arith.constant 0 : i32
        %dma_start3A_427 = arith.constant 0 : i32
        %dma_start3A_428 = tpu.memref_slice %arg6[%dma_start3A_424, %dma_start3A_426, %dma_start3A_427] : memref<4x200x128xf32, #tpu.memory_space<vmem>> -> memref<1x128x128xf32, #tpu.memory_space<vmem>>
        %dma_start3A_429 = tpu.memref_squeeze %dma_start3A_428 : memref<1x128x128xf32, #tpu.memory_space<vmem>> -> memref<128x128xf32, #tpu.memory_space<vmem>>
        %dma_start3A_430 = arith.constant 0 : i32
        %dma_start3A_431 = tpu.memref_slice %arg5[%add3A_295, %dma_start3A_430] : memref<32x200xi32, #tpu.memory_space<vmem>> -> memref<1x128xi32, #tpu.memory_space<vmem>>
        %dma_start3A_432 = tpu.memref_squeeze %dma_start3A_431 : memref<1x128xi32, #tpu.memory_space<vmem>> -> memref<128xi32, #tpu.memory_space<vmem>>
        %dma_start3A_433 = arith.constant 0 : i32
        %dma_start3A_434 = arith.constant 0 : i32
        %dma_start3A_435 = tpu.memref_slice %arg3[%dma_start3A_433, %dma_start3A_434] : memref<100000x128xf32, #tpu.memory_space<hbm>> -> memref<100000x128xf32, #tpu.memory_space<hbm>>
        %dma_start3A_436 = tpu.memref_slice %arg7[%dma_start3A_425] : memref<4x!tpu.dma_semaphore, #tpu.memory_space<semaphore_mem>> -> memref<1x!tpu.dma_semaphore, #tpu.memory_space<semaphore_mem>>
        %dma_start3A_437 = tpu.memref_squeeze %dma_start3A_436 : memref<1x!tpu.dma_semaphore, #tpu.memory_space<semaphore_mem>> -> memref<!tpu.dma_semaphore, #tpu.memory_space<semaphore_mem>>
        tpu.enqueue_indirect_dma source(%dma_start3A_435 : memref<100000x128xf32, #tpu.memory_space<hbm>>) target(%dma_start3A_429 : memref<128x128xf32, #tpu.memory_space<vmem>>) offsets(%dma_start3A_432 : memref<128xi32, #tpu.memory_space<vmem>>) semaphore(%dma_start3A_437 : memref<!tpu.dma_semaphore, #tpu.memory_space<semaphore_mem>>)
        %dma_start3A_438 = arith.constant 3 : i32
        %dma_start3A_439 = arith.constant 3 : i32
        %dma_start3A_440 = arith.constant 128 : i32
        %dma_start3A_441 = arith.constant 0 : i32
        %dma_start3A_442 = tpu.memref_slice %arg6[%dma_start3A_438, %dma_start3A_440, %dma_start3A_441] : memref<4x200x128xf32, #tpu.memory_space<vmem>> -> memref<1x72x128xf32, #tpu.memory_space<vmem>>
        %dma_start3A_443 = tpu.memref_squeeze %dma_start3A_442 : memref<1x72x128xf32, #tpu.memory_space<vmem>> -> memref<72x128xf32, #tpu.memory_space<vmem>>
        %dma_start3A_444 = arith.constant 128 : i32
        %dma_start3A_445 = tpu.memref_slice %arg5[%add3A_295, %dma_start3A_444] : memref<32x200xi32, #tpu.memory_space<vmem>> -> memref<1x72xi32, #tpu.memory_space<vmem>>
        %dma_start3A_446 = tpu.memref_squeeze %dma_start3A_445 : memref<1x72xi32, #tpu.memory_space<vmem>> -> memref<72xi32, #tpu.memory_space<vmem>>
        %dma_start3A_447 = arith.constant 0 : i32
        %dma_start3A_448 = arith.constant 0 : i32
        %dma_start3A_449 = tpu.memref_slice %arg3[%dma_start3A_447, %dma_start3A_448] : memref<100000x128xf32, #tpu.memory_space<hbm>> -> memref<100000x128xf32, #tpu.memory_space<hbm>>
        %dma_start3A_450 = tpu.memref_slice %arg7[%dma_start3A_439] : memref<4x!tpu.dma_semaphore, #tpu.memory_space<semaphore_mem>> -> memref<1x!tpu.dma_semaphore, #tpu.memory_space<semaphore_mem>>
        %dma_start3A_451 = tpu.memref_squeeze %dma_start3A_450 : memref<1x!tpu.dma_semaphore, #tpu.memory_space<semaphore_mem>> -> memref<!tpu.dma_semaphore, #tpu.memory_space<semaphore_mem>>
        tpu.enqueue_indirect_dma source(%dma_start3A_449 : memref<100000x128xf32, #tpu.memory_space<hbm>>) target(%dma_start3A_443 : memref<72x128xf32, #tpu.memory_space<vmem>>) offsets(%dma_start3A_446 : memref<72xi32, #tpu.memory_space<vmem>>) semaphore(%dma_start3A_451 : memref<!tpu.dma_semaphore, #tpu.memory_space<semaphore_mem>>)
      } else {
      }
      %add3A_304 = arith.constant 2 : i32
      %add3A_305 = arith.addi %add3A_209, %add3A_304 : i32
      %dma_wait3A_306 = arith.constant 0 : i32
      %dma_wait3A_307 = arith.constant 2 : i32
      %dma_wait3A_308 = arith.constant 2 : i32
      %dma_wait3A_309 = arith.constant 0 : i32
      %dma_wait3A_310 = arith.constant 0 : i32
      %dma_wait3A_311 = tpu.memref_slice %arg6[%dma_wait3A_307, %dma_wait3A_309, %dma_wait3A_310] : memref<4x200x128xf32, #tpu.memory_space<vmem>> -> memref<1x200x128xf32, #tpu.memory_space<vmem>>
      %dma_wait3A_312 = tpu.memref_squeeze %dma_wait3A_311 : memref<1x200x128xf32, #tpu.memory_space<vmem>> -> memref<200x128xf32, #tpu.memory_space<vmem>>
      %dma_wait3A_313 = arith.constant 0 : i32
      %dma_wait3A_314 = tpu.memref_slice %arg5[%dma_wait3A_306, %dma_wait3A_313] : memref<32x200xi32, #tpu.memory_space<vmem>> -> memref<1x200xi32, #tpu.memory_space<vmem>>
      %dma_wait3A_315 = tpu.memref_squeeze %dma_wait3A_314 : memref<1x200xi32, #tpu.memory_space<vmem>> -> memref<200xi32, #tpu.memory_space<vmem>>
      %dma_wait3A_316 = arith.constant 0 : i32
      %dma_wait3A_317 = arith.constant 0 : i32
      %dma_wait3A_318 = tpu.memref_slice %arg3[%dma_wait3A_316, %dma_wait3A_317] : memref<100000x128xf32, #tpu.memory_space<hbm>> -> memref<100000x128xf32, #tpu.memory_space<hbm>>
      %dma_wait3A_319 = tpu.memref_slice %arg7[%dma_wait3A_308] : memref<4x!tpu.dma_semaphore, #tpu.memory_space<semaphore_mem>> -> memref<1x!tpu.dma_semaphore, #tpu.memory_space<semaphore_mem>>
      %dma_wait3A_320 = tpu.memref_squeeze %dma_wait3A_319 : memref<1x!tpu.dma_semaphore, #tpu.memory_space<semaphore_mem>> -> memref<!tpu.dma_semaphore, #tpu.memory_space<semaphore_mem>>
      tpu.wait_indirect_dma semaphore(%dma_wait3A_320 : memref<!tpu.dma_semaphore, #tpu.memory_space<semaphore_mem>>) src(%dma_wait3A_318 : memref<100000x128xf32, #tpu.memory_space<hbm>>) dst(%dma_wait3A_312 : memref<200x128xf32, #tpu.memory_space<vmem>>)
      %add3A_321 = arith.addi %mul3A_2, %add3A_305 : i32
      %dma_start3A_322 = arith.constant 2 : i32
      %dma_start3A_323 = arith.constant 2 : i32
      %dma_start3A_324 = arith.constant 0 : i32
      %dma_start3A_325 = arith.constant 0 : i32
      %dma_start3A_326 = tpu.memref_slice %arg6[%dma_start3A_322, %dma_start3A_324, %dma_start3A_325] : memref<4x200x128xf32, #tpu.memory_space<vmem>> -> memref<1x200x128xf32, #tpu.memory_space<vmem>>
      %dma_start3A_327 = tpu.memref_squeeze %dma_start3A_326 : memref<1x200x128xf32, #tpu.memory_space<vmem>> -> memref<200x128xf32, #tpu.memory_space<vmem>>
      %dma_start3A_328 = arith.constant 0 : i32
      %dma_start3A_329 = arith.constant 0 : i32
      %dma_start3A_330 = tpu.memref_slice %arg4[%add3A_321, %dma_start3A_328, %dma_start3A_329] : memref<1024x200x128xf32, #tpu.memory_space<hbm>> -> memref<1x200x128xf32, #tpu.memory_space<hbm>>
      %dma_start3A_331 = tpu.memref_squeeze %dma_start3A_330 : memref<1x200x128xf32, #tpu.memory_space<hbm>> -> memref<200x128xf32, #tpu.memory_space<hbm>>
      %dma_start3A_332 = tpu.memref_slice %arg8[%dma_start3A_323] : memref<4x!tpu.dma_semaphore, #tpu.memory_space<semaphore_mem>> -> memref<1x!tpu.dma_semaphore, #tpu.memory_space<semaphore_mem>>
      %dma_start3A_333 = tpu.memref_squeeze %dma_start3A_332 : memref<1x!tpu.dma_semaphore, #tpu.memory_space<semaphore_mem>> -> memref<!tpu.dma_semaphore, #tpu.memory_space<semaphore_mem>>
      %dma_start3A_334 = arith.constant 0 : i32
      %dma_start3A_335 = arith.constant 0 : i32
      %dma_start3A_336 = tpu.memref_slice %arg4[%add3A_321, %dma_start3A_334, %dma_start3A_335] : memref<1024x200x128xf32, #tpu.memory_space<hbm>> -> memref<1x200x128xf32, #tpu.memory_space<hbm>>
      %dma_start3A_337 = tpu.memref_squeeze %dma_start3A_336 : memref<1x200x128xf32, #tpu.memory_space<hbm>> -> memref<200x128xf32, #tpu.memory_space<hbm>>
      %dma_start3A_338 = arith.constant 0 : i32
      %dma_start3A_339 = arith.constant 0 : i32
      %dma_start3A_340 = tpu.memref_slice %arg6[%dma_start3A_322, %dma_start3A_338, %dma_start3A_339] : memref<4x200x128xf32, #tpu.memory_space<vmem>> -> memref<1x200x128xf32, #tpu.memory_space<vmem>>
      %dma_start3A_341 = tpu.memref_squeeze %dma_start3A_340 : memref<1x200x128xf32, #tpu.memory_space<vmem>> -> memref<200x128xf32, #tpu.memory_space<vmem>>
      tpu.enqueue_dma source(%dma_start3A_341 : memref<200x128xf32, #tpu.memory_space<vmem>>) target(%dma_start3A_337 : memref<200x128xf32, #tpu.memory_space<hbm>>) target_semaphore(%dma_start3A_333 : memref<!tpu.dma_semaphore, #tpu.memory_space<semaphore_mem>>)
      %sub3A_342 = arith.constant 2 : i32
      %sub3A_343 = arith.subi %add3A_305, %sub3A_342 : i32
      %add3A_344 = arith.constant 4 : i32
      %add3A_345 = arith.addi %sub3A_343, %add3A_344 : i32
      %ge3A_346 = arith.constant 0 : i32
      %ge3A_347 = arith.cmpi sge, %sub3A_343, %ge3A_346 : i32
      %lt3A_348 = arith.constant 32 : i32
      %lt3A_349 = arith.cmpi slt, %add3A_345, %lt3A_348 : i32
      %and3A_350 = arith.andi %ge3A_347, %lt3A_349 : i1
      %convert_element_type3A_351 = arith.extui %and3A_350 : i1 to i32
      %cond3A_352 = arith.constant 0 : i32
      %cond3A_353 = arith.cmpi ne, %convert_element_type3A_351, %cond3A_352 : i32
      scf.if %cond3A_353 {
        %dma_wait3A_404 = arith.constant 0 : i32
        %dma_wait3A_405 = arith.constant 0 : i32
        %dma_wait3A_406 = arith.constant 0 : i32
        %dma_wait3A_407 = arith.constant 0 : i32
        %dma_wait3A_408 = tpu.memref_slice %arg6[%dma_wait3A_404, %dma_wait3A_406, %dma_wait3A_407] : memref<4x200x128xf32, #tpu.memory_space<vmem>> -> memref<1x200x128xf32, #tpu.memory_space<vmem>>
        %dma_wait3A_409 = tpu.memref_squeeze %dma_wait3A_408 : memref<1x200x128xf32, #tpu.memory_space<vmem>> -> memref<200x128xf32, #tpu.memory_space<vmem>>
        %dma_wait3A_410 = arith.constant 0 : i32
        %dma_wait3A_411 = arith.constant 0 : i32
        %dma_wait3A_412 = tpu.memref_slice %arg4[%mul3A_2, %dma_wait3A_410, %dma_wait3A_411] : memref<1024x200x128xf32, #tpu.memory_space<hbm>> -> memref<1x200x128xf32, #tpu.memory_space<hbm>>
        %dma_wait3A_413 = tpu.memref_squeeze %dma_wait3A_412 : memref<1x200x128xf32, #tpu.memory_space<hbm>> -> memref<200x128xf32, #tpu.memory_space<hbm>>
        %dma_wait3A_414 = tpu.memref_slice %arg8[%dma_wait3A_405] : memref<4x!tpu.dma_semaphore, #tpu.memory_space<semaphore_mem>> -> memref<1x!tpu.dma_semaphore, #tpu.memory_space<semaphore_mem>>
        %dma_wait3A_415 = tpu.memref_squeeze %dma_wait3A_414 : memref<1x!tpu.dma_semaphore, #tpu.memory_space<semaphore_mem>> -> memref<!tpu.dma_semaphore, #tpu.memory_space<semaphore_mem>>
        %dma_wait3A_416 = arith.constant 0 : i32
        %dma_wait3A_417 = arith.constant 0 : i32
        %dma_wait3A_418 = tpu.memref_slice %arg4[%mul3A_2, %dma_wait3A_416, %dma_wait3A_417] : memref<1024x200x128xf32, #tpu.memory_space<hbm>> -> memref<1x200x128xf32, #tpu.memory_space<hbm>>
        %dma_wait3A_419 = tpu.memref_squeeze %dma_wait3A_418 : memref<1x200x128xf32, #tpu.memory_space<hbm>> -> memref<200x128xf32, #tpu.memory_space<hbm>>
        %dma_wait3A_420 = arith.constant 0 : i32
        %dma_wait3A_421 = arith.constant 0 : i32
        %dma_wait3A_422 = tpu.memref_slice %arg6[%dma_wait3A_404, %dma_wait3A_420, %dma_wait3A_421] : memref<4x200x128xf32, #tpu.memory_space<vmem>> -> memref<1x200x128xf32, #tpu.memory_space<vmem>>
        %dma_wait3A_423 = tpu.memref_squeeze %dma_wait3A_422 : memref<1x200x128xf32, #tpu.memory_space<vmem>> -> memref<200x128xf32, #tpu.memory_space<vmem>>
        tpu.wait_dma2 semaphore(%dma_wait3A_415 : memref<!tpu.dma_semaphore, #tpu.memory_space<semaphore_mem>>) src(%dma_wait3A_423 : memref<200x128xf32, #tpu.memory_space<vmem>>) dst(%dma_wait3A_419 : memref<200x128xf32, #tpu.memory_space<hbm>>)
        %dma_start3A_424 = arith.constant 0 : i32
        %dma_start3A_425 = arith.constant 0 : i32
        %dma_start3A_426 = arith.constant 0 : i32
        %dma_start3A_427 = arith.constant 0 : i32
        %dma_start3A_428 = tpu.memref_slice %arg6[%dma_start3A_424, %dma_start3A_426, %dma_start3A_427] : memref<4x200x128xf32, #tpu.memory_space<vmem>> -> memref<1x128x128xf32, #tpu.memory_space<vmem>>
        %dma_start3A_429 = tpu.memref_squeeze %dma_start3A_428 : memref<1x128x128xf32, #tpu.memory_space<vmem>> -> memref<128x128xf32, #tpu.memory_space<vmem>>
        %dma_start3A_430 = arith.constant 0 : i32
        %dma_start3A_431 = tpu.memref_slice %arg5[%add3A_345, %dma_start3A_430] : memref<32x200xi32, #tpu.memory_space<vmem>> -> memref<1x128xi32, #tpu.memory_space<vmem>>
        %dma_start3A_432 = tpu.memref_squeeze %dma_start3A_431 : memref<1x128xi32, #tpu.memory_space<vmem>> -> memref<128xi32, #tpu.memory_space<vmem>>
        %dma_start3A_433 = arith.constant 0 : i32
        %dma_start3A_434 = arith.constant 0 : i32
        %dma_start3A_435 = tpu.memref_slice %arg3[%dma_start3A_433, %dma_start3A_434] : memref<100000x128xf32, #tpu.memory_space<hbm>> -> memref<100000x128xf32, #tpu.memory_space<hbm>>
        %dma_start3A_436 = tpu.memref_slice %arg7[%dma_start3A_425] : memref<4x!tpu.dma_semaphore, #tpu.memory_space<semaphore_mem>> -> memref<1x!tpu.dma_semaphore, #tpu.memory_space<semaphore_mem>>
        %dma_start3A_437 = tpu.memref_squeeze %dma_start3A_436 : memref<1x!tpu.dma_semaphore, #tpu.memory_space<semaphore_mem>> -> memref<!tpu.dma_semaphore, #tpu.memory_space<semaphore_mem>>
        tpu.enqueue_indirect_dma source(%dma_start3A_435 : memref<100000x128xf32, #tpu.memory_space<hbm>>) target(%dma_start3A_429 : memref<128x128xf32, #tpu.memory_space<vmem>>) offsets(%dma_start3A_432 : memref<128xi32, #tpu.memory_space<vmem>>) semaphore(%dma_start3A_437 : memref<!tpu.dma_semaphore, #tpu.memory_space<semaphore_mem>>)
        %dma_start3A_438 = arith.constant 0 : i32
        %dma_start3A_439 = arith.constant 0 : i32
        %dma_start3A_440 = arith.constant 128 : i32
        %dma_start3A_441 = arith.constant 0 : i32
        %dma_start3A_442 = tpu.memref_slice %arg6[%dma_start3A_438, %dma_start3A_440, %dma_start3A_441] : memref<4x200x128xf32, #tpu.memory_space<vmem>> -> memref<1x72x128xf32, #tpu.memory_space<vmem>>
        %dma_start3A_443 = tpu.memref_squeeze %dma_start3A_442 : memref<1x72x128xf32, #tpu.memory_space<vmem>> -> memref<72x128xf32, #tpu.memory_space<vmem>>
        %dma_start3A_444 = arith.constant 128 : i32
        %dma_start3A_445 = tpu.memref_slice %arg5[%add3A_345, %dma_start3A_444] : memref<32x200xi32, #tpu.memory_space<vmem>> -> memref<1x72xi32, #tpu.memory_space<vmem>>
        %dma_start3A_446 = tpu.memref_squeeze %dma_start3A_445 : memref<1x72xi32, #tpu.memory_space<vmem>> -> memref<72xi32, #tpu.memory_space<vmem>>
        %dma_start3A_447 = arith.constant 0 : i32
        %dma_start3A_448 = arith.constant 0 : i32
        %dma_start3A_449 = tpu.memref_slice %arg3[%dma_start3A_447, %dma_start3A_448] : memref<100000x128xf32, #tpu.memory_space<hbm>> -> memref<100000x128xf32, #tpu.memory_space<hbm>>
        %dma_start3A_450 = tpu.memref_slice %arg7[%dma_start3A_439] : memref<4x!tpu.dma_semaphore, #tpu.memory_space<semaphore_mem>> -> memref<1x!tpu.dma_semaphore, #tpu.memory_space<semaphore_mem>>
        %dma_start3A_451 = tpu.memref_squeeze %dma_start3A_450 : memref<1x!tpu.dma_semaphore, #tpu.memory_space<semaphore_mem>> -> memref<!tpu.dma_semaphore, #tpu.memory_space<semaphore_mem>>
        tpu.enqueue_indirect_dma source(%dma_start3A_449 : memref<100000x128xf32, #tpu.memory_space<hbm>>) target(%dma_start3A_443 : memref<72x128xf32, #tpu.memory_space<vmem>>) offsets(%dma_start3A_446 : memref<72xi32, #tpu.memory_space<vmem>>) semaphore(%dma_start3A_451 : memref<!tpu.dma_semaphore, #tpu.memory_space<semaphore_mem>>)
      } else {
      }
      %add3A_354 = arith.constant 3 : i32
      %add3A_355 = arith.addi %add3A_209, %add3A_354 : i32
      %dma_wait3A_356 = arith.constant 0 : i32
      %dma_wait3A_357 = arith.constant 3 : i32
      %dma_wait3A_358 = arith.constant 3 : i32
      %dma_wait3A_359 = arith.constant 0 : i32
      %dma_wait3A_360 = arith.constant 0 : i32
      %dma_wait3A_361 = tpu.memref_slice %arg6[%dma_wait3A_357, %dma_wait3A_359, %dma_wait3A_360] : memref<4x200x128xf32, #tpu.memory_space<vmem>> -> memref<1x200x128xf32, #tpu.memory_space<vmem>>
      %dma_wait3A_362 = tpu.memref_squeeze %dma_wait3A_361 : memref<1x200x128xf32, #tpu.memory_space<vmem>> -> memref<200x128xf32, #tpu.memory_space<vmem>>
      %dma_wait3A_363 = arith.constant 0 : i32
      %dma_wait3A_364 = tpu.memref_slice %arg5[%dma_wait3A_356, %dma_wait3A_363] : memref<32x200xi32, #tpu.memory_space<vmem>> -> memref<1x200xi32, #tpu.memory_space<vmem>>
      %dma_wait3A_365 = tpu.memref_squeeze %dma_wait3A_364 : memref<1x200xi32, #tpu.memory_space<vmem>> -> memref<200xi32, #tpu.memory_space<vmem>>
      %dma_wait3A_366 = arith.constant 0 : i32
      %dma_wait3A_367 = arith.constant 0 : i32
      %dma_wait3A_368 = tpu.memref_slice %arg3[%dma_wait3A_366, %dma_wait3A_367] : memref<100000x128xf32, #tpu.memory_space<hbm>> -> memref<100000x128xf32, #tpu.memory_space<hbm>>
      %dma_wait3A_369 = tpu.memref_slice %arg7[%dma_wait3A_358] : memref<4x!tpu.dma_semaphore, #tpu.memory_space<semaphore_mem>> -> memref<1x!tpu.dma_semaphore, #tpu.memory_space<semaphore_mem>>
      %dma_wait3A_370 = tpu.memref_squeeze %dma_wait3A_369 : memref<1x!tpu.dma_semaphore, #tpu.memory_space<semaphore_mem>> -> memref<!tpu.dma_semaphore, #tpu.memory_space<semaphore_mem>>
      tpu.wait_indirect_dma semaphore(%dma_wait3A_370 : memref<!tpu.dma_semaphore, #tpu.memory_space<semaphore_mem>>) src(%dma_wait3A_368 : memref<100000x128xf32, #tpu.memory_space<hbm>>) dst(%dma_wait3A_362 : memref<200x128xf32, #tpu.memory_space<vmem>>)
      %add3A_371 = arith.addi %mul3A_2, %add3A_355 : i32
      %dma_start3A_372 = arith.constant 3 : i32
      %dma_start3A_373 = arith.constant 3 : i32
      %dma_start3A_374 = arith.constant 0 : i32
      %dma_start3A_375 = arith.constant 0 : i32
      %dma_start3A_376 = tpu.memref_slice %arg6[%dma_start3A_372, %dma_start3A_374, %dma_start3A_375] : memref<4x200x128xf32, #tpu.memory_space<vmem>> -> memref<1x200x128xf32, #tpu.memory_space<vmem>>
      %dma_start3A_377 = tpu.memref_squeeze %dma_start3A_376 : memref<1x200x128xf32, #tpu.memory_space<vmem>> -> memref<200x128xf32, #tpu.memory_space<vmem>>
      %dma_start3A_378 = arith.constant 0 : i32
      %dma_start3A_379 = arith.constant 0 : i32
      %dma_start3A_380 = tpu.memref_slice %arg4[%add3A_371, %dma_start3A_378, %dma_start3A_379] : memref<1024x200x128xf32, #tpu.memory_space<hbm>> -> memref<1x200x128xf32, #tpu.memory_space<hbm>>
      %dma_start3A_381 = tpu.memref_squeeze %dma_start3A_380 : memref<1x200x128xf32, #tpu.memory_space<hbm>> -> memref<200x128xf32, #tpu.memory_space<hbm>>
      %dma_start3A_382 = tpu.memref_slice %arg8[%dma_start3A_373] : memref<4x!tpu.dma_semaphore, #tpu.memory_space<semaphore_mem>> -> memref<1x!tpu.dma_semaphore, #tpu.memory_space<semaphore_mem>>
      %dma_start3A_383 = tpu.memref_squeeze %dma_start3A_382 : memref<1x!tpu.dma_semaphore, #tpu.memory_space<semaphore_mem>> -> memref<!tpu.dma_semaphore, #tpu.memory_space<semaphore_mem>>
      %dma_start3A_384 = arith.constant 0 : i32
      %dma_start3A_385 = arith.constant 0 : i32
      %dma_start3A_386 = tpu.memref_slice %arg4[%add3A_371, %dma_start3A_384, %dma_start3A_385] : memref<1024x200x128xf32, #tpu.memory_space<hbm>> -> memref<1x200x128xf32, #tpu.memory_space<hbm>>
      %dma_start3A_387 = tpu.memref_squeeze %dma_start3A_386 : memref<1x200x128xf32, #tpu.memory_space<hbm>> -> memref<200x128xf32, #tpu.memory_space<hbm>>
      %dma_start3A_388 = arith.constant 0 : i32
      %dma_start3A_389 = arith.constant 0 : i32
      %dma_start3A_390 = tpu.memref_slice %arg6[%dma_start3A_372, %dma_start3A_388, %dma_start3A_389] : memref<4x200x128xf32, #tpu.memory_space<vmem>> -> memref<1x200x128xf32, #tpu.memory_space<vmem>>
      %dma_start3A_391 = tpu.memref_squeeze %dma_start3A_390 : memref<1x200x128xf32, #tpu.memory_space<vmem>> -> memref<200x128xf32, #tpu.memory_space<vmem>>
      tpu.enqueue_dma source(%dma_start3A_391 : memref<200x128xf32, #tpu.memory_space<vmem>>) target(%dma_start3A_387 : memref<200x128xf32, #tpu.memory_space<hbm>>) target_semaphore(%dma_start3A_383 : memref<!tpu.dma_semaphore, #tpu.memory_space<semaphore_mem>>)
      %sub3A_392 = arith.constant 2 : i32
      %sub3A_393 = arith.subi %add3A_355, %sub3A_392 : i32
      %add3A_394 = arith.constant 4 : i32
      %add3A_395 = arith.addi %sub3A_393, %add3A_394 : i32
      %ge3A_396 = arith.constant 0 : i32
      %ge3A_397 = arith.cmpi sge, %sub3A_393, %ge3A_396 : i32
      %lt3A_398 = arith.constant 32 : i32
      %lt3A_399 = arith.cmpi slt, %add3A_395, %lt3A_398 : i32
      %and3A_400 = arith.andi %ge3A_397, %lt3A_399 : i1
      %convert_element_type3A_401 = arith.extui %and3A_400 : i1 to i32
      %cond3A_402 = arith.constant 0 : i32
      %cond3A_403 = arith.cmpi ne, %convert_element_type3A_401, %cond3A_402 : i32
      scf.if %cond3A_403 {
        %dma_wait3A_404 = arith.constant 1 : i32
        %dma_wait3A_405 = arith.constant 1 : i32
        %dma_wait3A_406 = arith.constant 0 : i32
        %dma_wait3A_407 = arith.constant 0 : i32
        %dma_wait3A_408 = tpu.memref_slice %arg6[%dma_wait3A_404, %dma_wait3A_406, %dma_wait3A_407] : memref<4x200x128xf32, #tpu.memory_space<vmem>> -> memref<1x200x128xf32, #tpu.memory_space<vmem>>
        %dma_wait3A_409 = tpu.memref_squeeze %dma_wait3A_408 : memref<1x200x128xf32, #tpu.memory_space<vmem>> -> memref<200x128xf32, #tpu.memory_space<vmem>>
        %dma_wait3A_410 = arith.constant 0 : i32
        %dma_wait3A_411 = arith.constant 0 : i32
        %dma_wait3A_412 = tpu.memref_slice %arg4[%mul3A_2, %dma_wait3A_410, %dma_wait3A_411] : memref<1024x200x128xf32, #tpu.memory_space<hbm>> -> memref<1x200x128xf32, #tpu.memory_space<hbm>>
        %dma_wait3A_413 = tpu.memref_squeeze %dma_wait3A_412 : memref<1x200x128xf32, #tpu.memory_space<hbm>> -> memref<200x128xf32, #tpu.memory_space<hbm>>
        %dma_wait3A_414 = tpu.memref_slice %arg8[%dma_wait3A_405] : memref<4x!tpu.dma_semaphore, #tpu.memory_space<semaphore_mem>> -> memref<1x!tpu.dma_semaphore, #tpu.memory_space<semaphore_mem>>
        %dma_wait3A_415 = tpu.memref_squeeze %dma_wait3A_414 : memref<1x!tpu.dma_semaphore, #tpu.memory_space<semaphore_mem>> -> memref<!tpu.dma_semaphore, #tpu.memory_space<semaphore_mem>>
        %dma_wait3A_416 = arith.constant 0 : i32
        %dma_wait3A_417 = arith.constant 0 : i32
        %dma_wait3A_418 = tpu.memref_slice %arg4[%mul3A_2, %dma_wait3A_416, %dma_wait3A_417] : memref<1024x200x128xf32, #tpu.memory_space<hbm>> -> memref<1x200x128xf32, #tpu.memory_space<hbm>>
        %dma_wait3A_419 = tpu.memref_squeeze %dma_wait3A_418 : memref<1x200x128xf32, #tpu.memory_space<hbm>> -> memref<200x128xf32, #tpu.memory_space<hbm>>
        %dma_wait3A_420 = arith.constant 0 : i32
        %dma_wait3A_421 = arith.constant 0 : i32
        %dma_wait3A_422 = tpu.memref_slice %arg6[%dma_wait3A_404, %dma_wait3A_420, %dma_wait3A_421] : memref<4x200x128xf32, #tpu.memory_space<vmem>> -> memref<1x200x128xf32, #tpu.memory_space<vmem>>
        %dma_wait3A_423 = tpu.memref_squeeze %dma_wait3A_422 : memref<1x200x128xf32, #tpu.memory_space<vmem>> -> memref<200x128xf32, #tpu.memory_space<vmem>>
        tpu.wait_dma2 semaphore(%dma_wait3A_415 : memref<!tpu.dma_semaphore, #tpu.memory_space<semaphore_mem>>) src(%dma_wait3A_423 : memref<200x128xf32, #tpu.memory_space<vmem>>) dst(%dma_wait3A_419 : memref<200x128xf32, #tpu.memory_space<hbm>>)
        %dma_start3A_424 = arith.constant 1 : i32
        %dma_start3A_425 = arith.constant 1 : i32
        %dma_start3A_426 = arith.constant 0 : i32
        %dma_start3A_427 = arith.constant 0 : i32
        %dma_start3A_428 = tpu.memref_slice %arg6[%dma_start3A_424, %dma_start3A_426, %dma_start3A_427] : memref<4x200x128xf32, #tpu.memory_space<vmem>> -> memref<1x128x128xf32, #tpu.memory_space<vmem>>
        %dma_start3A_429 = tpu.memref_squeeze %dma_start3A_428 : memref<1x128x128xf32, #tpu.memory_space<vmem>> -> memref<128x128xf32, #tpu.memory_space<vmem>>
        %dma_start3A_430 = arith.constant 0 : i32
        %dma_start3A_431 = tpu.memref_slice %arg5[%add3A_395, %dma_start3A_430] : memref<32x200xi32, #tpu.memory_space<vmem>> -> memref<1x128xi32, #tpu.memory_space<vmem>>
        %dma_start3A_432 = tpu.memref_squeeze %dma_start3A_431 : memref<1x128xi32, #tpu.memory_space<vmem>> -> memref<128xi32, #tpu.memory_space<vmem>>
        %dma_start3A_433 = arith.constant 0 : i32
        %dma_start3A_434 = arith.constant 0 : i32
        %dma_start3A_435 = tpu.memref_slice %arg3[%dma_start3A_433, %dma_start3A_434] : memref<100000x128xf32, #tpu.memory_space<hbm>> -> memref<100000x128xf32, #tpu.memory_space<hbm>>
        %dma_start3A_436 = tpu.memref_slice %arg7[%dma_start3A_425] : memref<4x!tpu.dma_semaphore, #tpu.memory_space<semaphore_mem>> -> memref<1x!tpu.dma_semaphore, #tpu.memory_space<semaphore_mem>>
        %dma_start3A_437 = tpu.memref_squeeze %dma_start3A_436 : memref<1x!tpu.dma_semaphore, #tpu.memory_space<semaphore_mem>> -> memref<!tpu.dma_semaphore, #tpu.memory_space<semaphore_mem>>
        tpu.enqueue_indirect_dma source(%dma_start3A_435 : memref<100000x128xf32, #tpu.memory_space<hbm>>) target(%dma_start3A_429 : memref<128x128xf32, #tpu.memory_space<vmem>>) offsets(%dma_start3A_432 : memref<128xi32, #tpu.memory_space<vmem>>) semaphore(%dma_start3A_437 : memref<!tpu.dma_semaphore, #tpu.memory_space<semaphore_mem>>)
        %dma_start3A_438 = arith.constant 1 : i32
        %dma_start3A_439 = arith.constant 1 : i32
        %dma_start3A_440 = arith.constant 128 : i32
        %dma_start3A_441 = arith.constant 0 : i32
        %dma_start3A_442 = tpu.memref_slice %arg6[%dma_start3A_438, %dma_start3A_440, %dma_start3A_441] : memref<4x200x128xf32, #tpu.memory_space<vmem>> -> memref<1x72x128xf32, #tpu.memory_space<vmem>>
        %dma_start3A_443 = tpu.memref_squeeze %dma_start3A_442 : memref<1x72x128xf32, #tpu.memory_space<vmem>> -> memref<72x128xf32, #tpu.memory_space<vmem>>
        %dma_start3A_444 = arith.constant 128 : i32
        %dma_start3A_445 = tpu.memref_slice %arg5[%add3A_395, %dma_start3A_444] : memref<32x200xi32, #tpu.memory_space<vmem>> -> memref<1x72xi32, #tpu.memory_space<vmem>>
        %dma_start3A_446 = tpu.memref_squeeze %dma_start3A_445 : memref<1x72xi32, #tpu.memory_space<vmem>> -> memref<72xi32, #tpu.memory_space<vmem>>
        %dma_start3A_447 = arith.constant 0 : i32
        %dma_start3A_448 = arith.constant 0 : i32
        %dma_start3A_449 = tpu.memref_slice %arg3[%dma_start3A_447, %dma_start3A_448] : memref<100000x128xf32, #tpu.memory_space<hbm>> -> memref<100000x128xf32, #tpu.memory_space<hbm>>
        %dma_start3A_450 = tpu.memref_slice %arg7[%dma_start3A_439] : memref<4x!tpu.dma_semaphore, #tpu.memory_space<semaphore_mem>> -> memref<1x!tpu.dma_semaphore, #tpu.memory_space<semaphore_mem>>
        %dma_start3A_451 = tpu.memref_squeeze %dma_start3A_450 : memref<1x!tpu.dma_semaphore, #tpu.memory_space<semaphore_mem>> -> memref<!tpu.dma_semaphore, #tpu.memory_space<semaphore_mem>>
        tpu.enqueue_indirect_dma source(%dma_start3A_449 : memref<100000x128xf32, #tpu.memory_space<hbm>>) target(%dma_start3A_443 : memref<72x128xf32, #tpu.memory_space<vmem>>) offsets(%dma_start3A_446 : memref<72xi32, #tpu.memory_space<vmem>>) semaphore(%dma_start3A_451 : memref<!tpu.dma_semaphore, #tpu.memory_space<semaphore_mem>>)
      } else {
      }
    }
    %scan3A_125 = arith.constant 8 : i32
    %dma_wait3A = arith.constant 0 : i32
    %dma_wait3A_126 = arith.constant 0 : i32
    %dma_wait3A_127 = arith.constant 0 : i32
    %dma_wait3A_128 = arith.constant 0 : i32
    %dma_wait3A_129 = tpu.memref_slice %arg6[%dma_wait3A, %dma_wait3A_127, %dma_wait3A_128] : memref<4x200x128xf32, #tpu.memory_space<vmem>> -> memref<1x200x128xf32, #tpu.memory_space<vmem>>
    %dma_wait3A_130 = tpu.memref_squeeze %dma_wait3A_129 : memref<1x200x128xf32, #tpu.memory_space<vmem>> -> memref<200x128xf32, #tpu.memory_space<vmem>>
    %dma_wait3A_131 = arith.constant 0 : i32
    %dma_wait3A_132 = arith.constant 0 : i32
    %dma_wait3A_133 = tpu.memref_slice %arg4[%mul3A_2, %dma_wait3A_131, %dma_wait3A_132] : memref<1024x200x128xf32, #tpu.memory_space<hbm>> -> memref<1x200x128xf32, #tpu.memory_space<hbm>>
    %dma_wait3A_134 = tpu.memref_squeeze %dma_wait3A_133 : memref<1x200x128xf32, #tpu.memory_space<hbm>> -> memref<200x128xf32, #tpu.memory_space<hbm>>
    %dma_wait3A_135 = tpu.memref_slice %arg8[%dma_wait3A_126] : memref<4x!tpu.dma_semaphore, #tpu.memory_space<semaphore_mem>> -> memref<1x!tpu.dma_semaphore, #tpu.memory_space<semaphore_mem>>
    %dma_wait3A_136 = tpu.memref_squeeze %dma_wait3A_135 : memref<1x!tpu.dma_semaphore, #tpu.memory_space<semaphore_mem>> -> memref<!tpu.dma_semaphore, #tpu.memory_space<semaphore_mem>>
    %dma_wait3A_137 = arith.constant 0 : i32
    %dma_wait3A_138 = arith.constant 0 : i32
    %dma_wait3A_139 = tpu.memref_slice %arg4[%mul3A_2, %dma_wait3A_137, %dma_wait3A_138] : memref<1024x200x128xf32, #tpu.memory_space<hbm>> -> memref<1x200x128xf32, #tpu.memory_space<hbm>>
    %dma_wait3A_140 = tpu.memref_squeeze %dma_wait3A_139 : memref<1x200x128xf32, #tpu.memory_space<hbm>> -> memref<200x128xf32, #tpu.memory_space<hbm>>
    %dma_wait3A_141 = arith.constant 0 : i32
    %dma_wait3A_142 = arith.constant 0 : i32
    %dma_wait3A_143 = tpu.memref_slice %arg6[%dma_wait3A, %dma_wait3A_141, %dma_wait3A_142] : memref<4x200x128xf32, #tpu.memory_space<vmem>> -> memref<1x200x128xf32, #tpu.memory_space<vmem>>
    %dma_wait3A_144 = tpu.memref_squeeze %dma_wait3A_143 : memref<1x200x128xf32, #tpu.memory_space<vmem>> -> memref<200x128xf32, #tpu.memory_space<vmem>>
    tpu.wait_dma2 semaphore(%dma_wait3A_136 : memref<!tpu.dma_semaphore, #tpu.memory_space<semaphore_mem>>) src(%dma_wait3A_144 : memref<200x128xf32, #tpu.memory_space<vmem>>) dst(%dma_wait3A_140 : memref<200x128xf32, #tpu.memory_space<hbm>>)
    %dma_wait3A_145 = arith.constant 1 : i32
    %dma_wait3A_146 = arith.constant 1 : i32
    %dma_wait3A_147 = arith.constant 0 : i32
    %dma_wait3A_148 = arith.constant 0 : i32
    %dma_wait3A_149 = tpu.memref_slice %arg6[%dma_wait3A_145, %dma_wait3A_147, %dma_wait3A_148] : memref<4x200x128xf32, #tpu.memory_space<vmem>> -> memref<1x200x128xf32, #tpu.memory_space<vmem>>
    %dma_wait3A_150 = tpu.memref_squeeze %dma_wait3A_149 : memref<1x200x128xf32, #tpu.memory_space<vmem>> -> memref<200x128xf32, #tpu.memory_space<vmem>>
    %dma_wait3A_151 = arith.constant 0 : i32
    %dma_wait3A_152 = arith.constant 0 : i32
    %dma_wait3A_153 = tpu.memref_slice %arg4[%mul3A_2, %dma_wait3A_151, %dma_wait3A_152] : memref<1024x200x128xf32, #tpu.memory_space<hbm>> -> memref<1x200x128xf32, #tpu.memory_space<hbm>>
    %dma_wait3A_154 = tpu.memref_squeeze %dma_wait3A_153 : memref<1x200x128xf32, #tpu.memory_space<hbm>> -> memref<200x128xf32, #tpu.memory_space<hbm>>
    %dma_wait3A_155 = tpu.memref_slice %arg8[%dma_wait3A_146] : memref<4x!tpu.dma_semaphore, #tpu.memory_space<semaphore_mem>> -> memref<1x!tpu.dma_semaphore, #tpu.memory_space<semaphore_mem>>
    %dma_wait3A_156 = tpu.memref_squeeze %dma_wait3A_155 : memref<1x!tpu.dma_semaphore, #tpu.memory_space<semaphore_mem>> -> memref<!tpu.dma_semaphore, #tpu.memory_space<semaphore_mem>>
    %dma_wait3A_157 = arith.constant 0 : i32
    %dma_wait3A_158 = arith.constant 0 : i32
    %dma_wait3A_159 = tpu.memref_slice %arg4[%mul3A_2, %dma_wait3A_157, %dma_wait3A_158] : memref<1024x200x128xf32, #tpu.memory_space<hbm>> -> memref<1x200x128xf32, #tpu.memory_space<hbm>>
    %dma_wait3A_160 = tpu.memref_squeeze %dma_wait3A_159 : memref<1x200x128xf32, #tpu.memory_space<hbm>> -> memref<200x128xf32, #tpu.memory_space<hbm>>
    %dma_wait3A_161 = arith.constant 0 : i32
    %dma_wait3A_162 = arith.constant 0 : i32
    %dma_wait3A_163 = tpu.memref_slice %arg6[%dma_wait3A_145, %dma_wait3A_161, %dma_wait3A_162] : memref<4x200x128xf32, #tpu.memory_space<vmem>> -> memref<1x200x128xf32, #tpu.memory_space<vmem>>
    %dma_wait3A_164 = tpu.memref_squeeze %dma_wait3A_163 : memref<1x200x128xf32, #tpu.memory_space<vmem>> -> memref<200x128xf32, #tpu.memory_space<vmem>>
    tpu.wait_dma2 semaphore(%dma_wait3A_156 : memref<!tpu.dma_semaphore, #tpu.memory_space<semaphore_mem>>) src(%dma_wait3A_164 : memref<200x128xf32, #tpu.memory_space<vmem>>) dst(%dma_wait3A_160 : memref<200x128xf32, #tpu.memory_space<hbm>>)
    %dma_wait3A_165 = arith.constant 2 : i32
    %dma_wait3A_166 = arith.constant 2 : i32
    %dma_wait3A_167 = arith.constant 0 : i32
    %dma_wait3A_168 = arith.constant 0 : i32
    %dma_wait3A_169 = tpu.memref_slice %arg6[%dma_wait3A_165, %dma_wait3A_167, %dma_wait3A_168] : memref<4x200x128xf32, #tpu.memory_space<vmem>> -> memref<1x200x128xf32, #tpu.memory_space<vmem>>
    %dma_wait3A_170 = tpu.memref_squeeze %dma_wait3A_169 : memref<1x200x128xf32, #tpu.memory_space<vmem>> -> memref<200x128xf32, #tpu.memory_space<vmem>>
    %dma_wait3A_171 = arith.constant 0 : i32
    %dma_wait3A_172 = arith.constant 0 : i32
    %dma_wait3A_173 = tpu.memref_slice %arg4[%mul3A_2, %dma_wait3A_171, %dma_wait3A_172] : memref<1024x200x128xf32, #tpu.memory_space<hbm>> -> memref<1x200x128xf32, #tpu.memory_space<hbm>>
    %dma_wait3A_174 = tpu.memref_squeeze %dma_wait3A_173 : memref<1x200x128xf32, #tpu.memory_space<hbm>> -> memref<200x128xf32, #tpu.memory_space<hbm>>
    %dma_wait3A_175 = tpu.memref_slice %arg8[%dma_wait3A_166] : memref<4x!tpu.dma_semaphore, #tpu.memory_space<semaphore_mem>> -> memref<1x!tpu.dma_semaphore, #tpu.memory_space<semaphore_mem>>
    %dma_wait3A_176 = tpu.memref_squeeze %dma_wait3A_175 : memref<1x!tpu.dma_semaphore, #tpu.memory_space<semaphore_mem>> -> memref<!tpu.dma_semaphore, #tpu.memory_space<semaphore_mem>>
    %dma_wait3A_177 = arith.constant 0 : i32
    %dma_wait3A_178 = arith.constant 0 : i32
    %dma_wait3A_179 = tpu.memref_slice %arg4[%mul3A_2, %dma_wait3A_177, %dma_wait3A_178] : memref<1024x200x128xf32, #tpu.memory_space<hbm>> -> memref<1x200x128xf32, #tpu.memory_space<hbm>>
    %dma_wait3A_180 = tpu.memref_squeeze %dma_wait3A_179 : memref<1x200x128xf32, #tpu.memory_space<hbm>> -> memref<200x128xf32, #tpu.memory_space<hbm>>
    %dma_wait3A_181 = arith.constant 0 : i32
    %dma_wait3A_182 = arith.constant 0 : i32
    %dma_wait3A_183 = tpu.memref_slice %arg6[%dma_wait3A_165, %dma_wait3A_181, %dma_wait3A_182] : memref<4x200x128xf32, #tpu.memory_space<vmem>> -> memref<1x200x128xf32, #tpu.memory_space<vmem>>
    %dma_wait3A_184 = tpu.memref_squeeze %dma_wait3A_183 : memref<1x200x128xf32, #tpu.memory_space<vmem>> -> memref<200x128xf32, #tpu.memory_space<vmem>>
    tpu.wait_dma2 semaphore(%dma_wait3A_176 : memref<!tpu.dma_semaphore, #tpu.memory_space<semaphore_mem>>) src(%dma_wait3A_184 : memref<200x128xf32, #tpu.memory_space<vmem>>) dst(%dma_wait3A_180 : memref<200x128xf32, #tpu.memory_space<hbm>>)
    %dma_wait3A_185 = arith.constant 3 : i32
    %dma_wait3A_186 = arith.constant 3 : i32
    %dma_wait3A_187 = arith.constant 0 : i32
    %dma_wait3A_188 = arith.constant 0 : i32
    %dma_wait3A_189 = tpu.memref_slice %arg6[%dma_wait3A_185, %dma_wait3A_187, %dma_wait3A_188] : memref<4x200x128xf32, #tpu.memory_space<vmem>> -> memref<1x200x128xf32, #tpu.memory_space<vmem>>
    %dma_wait3A_190 = tpu.memref_squeeze %dma_wait3A_189 : memref<1x200x128xf32, #tpu.memory_space<vmem>> -> memref<200x128xf32, #tpu.memory_space<vmem>>
    %dma_wait3A_191 = arith.constant 0 : i32
    %dma_wait3A_192 = arith.constant 0 : i32
    %dma_wait3A_193 = tpu.memref_slice %arg4[%mul3A_2, %dma_wait3A_191, %dma_wait3A_192] : memref<1024x200x128xf32, #tpu.memory_space<hbm>> -> memref<1x200x128xf32, #tpu.memory_space<hbm>>
    %dma_wait3A_194 = tpu.memref_squeeze %dma_wait3A_193 : memref<1x200x128xf32, #tpu.memory_space<hbm>> -> memref<200x128xf32, #tpu.memory_space<hbm>>
    %dma_wait3A_195 = tpu.memref_slice %arg8[%dma_wait3A_186] : memref<4x!tpu.dma_semaphore, #tpu.memory_space<semaphore_mem>> -> memref<1x!tpu.dma_semaphore, #tpu.memory_space<semaphore_mem>>
    %dma_wait3A_196 = tpu.memref_squeeze %dma_wait3A_195 : memref<1x!tpu.dma_semaphore, #tpu.memory_space<semaphore_mem>> -> memref<!tpu.dma_semaphore, #tpu.memory_space<semaphore_mem>>
    %dma_wait3A_197 = arith.constant 0 : i32
    %dma_wait3A_198 = arith.constant 0 : i32
    %dma_wait3A_199 = tpu.memref_slice %arg4[%mul3A_2, %dma_wait3A_197, %dma_wait3A_198] : memref<1024x200x128xf32, #tpu.memory_space<hbm>> -> memref<1x200x128xf32, #tpu.memory_space<hbm>>
    %dma_wait3A_200 = tpu.memref_squeeze %dma_wait3A_199 : memref<1x200x128xf32, #tpu.memory_space<hbm>> -> memref<200x128xf32, #tpu.memory_space<hbm>>
    %dma_wait3A_201 = arith.constant 0 : i32
    %dma_wait3A_202 = arith.constant 0 : i32
    %dma_wait3A_203 = tpu.memref_slice %arg6[%dma_wait3A_185, %dma_wait3A_201, %dma_wait3A_202] : memref<4x200x128xf32, #tpu.memory_space<vmem>> -> memref<1x200x128xf32, #tpu.memory_space<vmem>>
    %dma_wait3A_204 = tpu.memref_squeeze %dma_wait3A_203 : memref<1x200x128xf32, #tpu.memory_space<vmem>> -> memref<200x128xf32, #tpu.memory_space<vmem>>
    tpu.wait_dma2 semaphore(%dma_wait3A_196 : memref<!tpu.dma_semaphore, #tpu.memory_space<semaphore_mem>>) src(%dma_wait3A_204 : memref<200x128xf32, #tpu.memory_space<vmem>>) dst(%dma_wait3A_200 : memref<200x128xf32, #tpu.memory_space<hbm>>)
    return
  }
}

module attributes {stable_mosaic.version = 14 : i64} {
  func.func @_mask_body(%arg0: memref<1024x200xi32, #tpu.memory_space<vmem>>, %arg1: memref<1024x200xi8, #tpu.memory_space<vmem>>) attributes {dimension_semantics = [], scalar_prefetch = 0 : i64, scratch_operands = 0 : i64, tpu.core_type = #tpu.core_type<tc>} {
    %get3A = arith.constant 0 : index
    %get3A_0 = arith.constant 0 : index
    %get3A_1 = vector.load %arg0[%get3A, %get3A_0] : memref<1024x200xi32, #tpu.memory_space<vmem>>, vector<1024x200xi32>
    %gt3A = arith.constant 0 : i32
    %gt3A_2 = vector.broadcast %gt3A : i32 to vector<1024x200xi32>
    %gt3A_3 = arith.cmpi sgt, %get3A_1, %gt3A_2 : vector<1024x200xi32>
    %convert_element_type3A = arith.extui %gt3A_3 : vector<1024x200xi1> to vector<1024x200xi8>
    %swap3A = arith.constant 0 : index
    %swap3A_4 = arith.constant 0 : index
    %swap3A_5 = vector.load %arg1[%swap3A, %swap3A_4] : memref<1024x200xi8, #tpu.memory_space<vmem>>, vector<1024x200xi8>
    tpu.vector_store %arg1[%swap3A, %swap3A_4], %convert_element_type3A {strides = array<i32>} : memref<1024x200xi8, #tpu.memory_space<vmem>>, vector<1024x200xi8>,
    return
  }
}

</mosaic_0001>

<sc_bundles>
// kernel: kernel.4.cloned.1.call-start
scs
__scs_entry_jumppad:
0x0: {  	(pc) =	sbr.rel $0x88, $3  }
0x1: {  	(tag) =	ssettag $0x0;
	lr =	simm.s32 $0x1  }
0x2: {  	[smem:$0x3F9F] =	sst lr;
	_ =	strace $0xD0000000  }
0x3: {  	_ = 	snop  }
0x4: {  	_ = 	snop  }
0x5: {  	_ = 	snop  }
0x6: {  	_ = 	snop  }
0x7: {  	_ = 	snop  }
__scs_overlays_trampoline_lowered:
0x8: {  	[smem:$0x3FAE] =	sst s0  }
0x9: {  	[smem:$0x3FAF] =	sst s1  }
0xa: {  	[smem:$0x3FB0] =	sst s2  }
0xb: {  	[smem:$0x3FB1] =	sst s3  }
0xc: {  	[smem:$0x3FB2] =	sst s4  }
0xd: {  	[smem:$0x3FB3] =	sst s5  }
0xe: {  	[smem:$0x3FB4] =	sst s6  }
0xf: {  	[smem:$0x3FB5] =	sst s7  }
0x10: {  	[smem:$0x3FB6] =	sst s8  }
0x11: {  	[smem:$0x3FB7] =	sst s9;
	s0 =	simm.s32 @!p0 $0x0  }
0x12: {  	s1 =	sld [smem:$0x3F9D];
	s0 =	simm.s32 @p0 $0x1  }
0x13: {  	[smem:$0x3FB8] =	sst s0;
	s0 =	simm.s32 @!p1 $0x0  }
0x14: {  	s2 =	sld [smem:$0x3F9C];
	s0 =	simm.s32 @p1 $0x1  }
0x15: {  	[smem:$0x3FB9] =	sst s0;
	s0 =	simm.s32 @!p2 $0x0  }
0x16: {  	s3 =	sld [smem:$0x3FDB];
	s0 =	simm.s32 @p2 $0x1  }
0x17: {  	s4 =	simm.s32 $0x1BF5;
	[smem:$0x3FBB] =	sst s0  }
0x18: {  	s0 =	sld [smem:$0x3F9E];
	_ =	swait.ge [sflag:s4], $0x0  }
0x19: {  	s7 =	sld [smem:$0x3F9F]  }
0x1a: {  	s8 =	sadd.s32 $0xFFFFE003, lr  }
0x1b: {  	s9 =	sadd.s32 $0xFFFFFEF7, lr;
	s5 =	simm.s32 $0xFFFFFFFF;
	p2 =	slt.u32 s8, $0xFFFFF086  }
0x1c: {  	p1 =	slt.u32 s9, $0xF7A;
	s5 =	simm.s32 @!p2 $0x0  }
0x1d: {  	s5 =	simm.s32 @p1 $0x1;
	p0 =	seq.s32 s7, s2  }
0x1e: {  	s7 =	smul.u32 @!p0 $0xF7A, s2;
	p2 =	seq.s32 @!p0 s5, $0x0  }
0x1f: {  	s9 =	smul.u32 $0xF7A, s1;
	s8 =	simm.s32 @!p0 $0x1BF5;
	p2 =	por !p2, p0  }
0x20: {  	[sflag:s8] =	ssyncset.s32 @!p0 $0xFFFFF086;
	s6 =	sadd.s32 @!p0 s3, s7;
	s7 =	simm.s32 @!p0 $0x108  }
0x21: {  	s3 =	sadd.s32 s3, s9;
	s6 =	sadd.s32 @!p0 $0x88, s6;
	s7 =	simm.s32 @p2 $0x1082  }
0x22: {  	[simem:s7], [sflag:s8] =	dma.local @!p0 [hbm:s6], $0xF7A  }
0x23: {  	s9 =	sor.u32 $0xD0000000, s2;
	s6 =	simm.s32 $0x108;
	_ =	swait.ge @!p0 [sflag:s8], $0x0  }
0x24: {  	s3 =	sadd.s32 $0x88, s3;
	s6 =	simm.s32 @!p1 $0x1082;
	[sflag:s4] =	ssyncset.s32 $0xFFFFF086  }
0x25: {  	[simem:s6], [sflag:s4] =	dma.local [hbm:s3], $0xF7A  }
0x26: {  	[smem:$0x3F9F] =	sst s1;
	(tag) =	ssettag s2;
	_ =	strace s9  }
0x27: {  	s1 =	sld [smem:$0x3FAF]  }
0x28: {  	s2 =	sld [smem:$0x3FB0]  }
0x29: {  	s4 =	sld [smem:$0x3FB2]  }
0x2a: {  	p0 =	seq.s32 s5, $0x0;
	s5 =	sld [smem:$0x3FB3]  }
0x2b: {  	s6 =	sld [smem:$0x3FB4]  }
0x2c: {  	s7 =	sld [smem:$0x3FB5]  }
0x2d: {  	s3 =	simm.s32 $0x108;
	s8 =	sld [smem:$0x3FB6]  }
0x2e: {  	s3 =	simm.s32 @!p0 $0x1082;
	s9 =	sld [smem:$0x3FB7]  }
0x2f: {  	lr =	sadd.s32 s0, s3;
	s0 =	sld [smem:$0x3FAE]  }
0x30: {  	s3 =	sld [smem:$0x3FB1]  }
0x31: {  	[smem:$0x3FBA] =	sst s10  }
0x32: {  	s10 =	sld [smem:$0x3FB8];
	_ =	sdelay $0x3  }
0x33: {  	p0 =	seq.s32 s10, $0x1;
	s10 =	sld [smem:$0x3FBA];
	_ =	sdelay $0x3  }
0x34: {  	[smem:$0x3FBA] =	sst s10  }
0x35: {  	s10 =	sld [smem:$0x3FB9];
	_ =	sdelay $0x3  }
0x36: {  	p1 =	seq.s32 s10, $0x1;
	s10 =	sld [smem:$0x3FBA];
	_ =	sdelay $0x3  }
0x37: {  	[smem:$0x3FBA] =	sst s10  }
0x38: {  	s10 =	sld [smem:$0x3FBB]  }
0x39: {  	_ = 	snop;
	(pc) =	sbr.ind lr, $3  }
0x3a: {  	_ = 	snop  }
0x3b: {  	_ = 	snop  }
0x3c: {  	p2 =	seq.s32 s10, $0x1;
	s10 =	sld [smem:$0x3FBA]  }
0x3d: {  	_ =	shalt  }
0x3e: {  	_ =	shalt  }
0x3f: {  	_ =	shalt  }
0x40: {  	_ =	shalt  }
0x41: {  	_ =	shalt  }
0x42: {  	_ =	shalt  }
0x43: {  	_ =	shalt  }
0x44: {  	_ =	shalt  }
0x45: {  	_ =	shalt  }
0x46: {  	_ =	shalt  }
0x47: {  	_ =	shalt  }
0x48: {  	_ =	shalt  }
0x49: {  	_ =	shalt  }
0x4a: {  	_ =	shalt  }
0x4b: {  	_ =	shalt  }
0x4c: {  	_ =	shalt  }
0x4d: {  	_ =	shalt  }
0x4e: {  	_ =	shalt  }
0x4f: {  	_ =	shalt  }
0x50: {  	_ =	shalt  }
0x51: {  	_ =	shalt  }
0x52: {  	_ =	shalt  }
0x53: {  	_ =	shalt  }
0x54: {  	_ =	shalt  }
0x55: {  	_ =	shalt  }
0x56: {  	_ =	shalt  }
0x57: {  	_ =	shalt  }
0x58: {  	_ =	shalt  }
0x59: {  	_ =	shalt  }
0x5a: {  	_ =	shalt  }
0x5b: {  	_ =	shalt  }
0x5c: {  	_ =	shalt  }
0x5d: {  	_ =	shalt  }
0x5e: {  	_ =	shalt  }
0x5f: {  	_ =	shalt  }
0x60: {  	_ =	shalt  }
0x61: {  	_ =	shalt  }
0x62: {  	_ =	shalt  }
0x63: {  	_ =	shalt  }
0x64: {  	_ =	shalt  }
0x65: {  	_ =	shalt  }
0x66: {  	_ =	shalt  }
0x67: {  	_ =	shalt  }
0x68: {  	_ =	shalt  }
0x69: {  	_ =	shalt  }
0x6a: {  	_ =	shalt  }
0x6b: {  	_ =	shalt  }
0x6c: {  	_ =	shalt  }
0x6d: {  	_ =	shalt  }
0x6e: {  	_ =	shalt  }
0x6f: {  	_ =	shalt  }
0x70: {  	_ =	shalt  }
0x71: {  	_ =	shalt  }
0x72: {  	_ =	shalt  }
0x73: {  	_ =	shalt  }
0x74: {  	_ =	shalt  }
0x75: {  	_ =	shalt  }
0x76: {  	_ =	shalt  }
0x77: {  	_ =	shalt  }
0x78: {  	_ =	shalt  }
0x79: {  	_ =	shalt  }
0x7a: {  	_ =	shalt  }
0x7b: {  	_ =	shalt  }
0x7c: {  	_ =	shalt  }
0x7d: {  	_ =	shalt  }
0x7e: {  	_ =	shalt  }
0x7f: {  	_ =	shalt  }
0x80: {  	_ =	shalt  }
0x81: {  	_ =	shalt  }
0x82: {  	_ =	shalt  }
0x83: {  	_ =	shalt  }
0x84: {  	_ =	shalt  }
0x85: {  	_ =	shalt  }
0x86: {  	_ =	shalt  }
0x87: {  	_ =	shalt  }
.Lfunc_end0:
.L_simem_size_0:
called_computation_lowered:
.L_overlay_start_0:
0x88: {  	s2 =	sld [smem:$0x3FD9]  }
0x89: {  	s3 =	sld [smem:$0x3FFE];
	_ =	sdelay $0x1  }
0x8a: {  	s1 =	srdreg.scid  }
0x8b: {  	s0 =	sand.u32 $0x1, s1  }
0x8c: {  	s14 =	sshll.u32 s0, $0xA;
	s2 =	sadd.s32 s3, s2  }
0x8d: {  	s2 =	sadd.s32 s2, s14  }
0x8e: {  	[smem:$0x3FC6] =	sst s2  }
0x8f: {  	_ = 	snop  }
0x90: {  	s2 =	sld [smem:$0x3FD0];
	_ =	sdelay $0x2  }
0x91: {  	s4 =	simm.s32 $0xA;
	s5 =	simm.s32 $0x10;
	s15 =	sld [smem:$0x3FC8]  }
0x92: {  	[smem:s5], [sflag:s4] =	dma.local [hbm:s2], $0x1  }
0x93: {  	_ =	swait.eq [sflag:s4], $0x1  }
0x94: {  	[sflag:s4] =	ssyncset.done $0x0  }
0x95: {  	[sflag:s4] =	ssyncadd.s32 $0xFFFFFFFF  }
0x96: {  	s16 =	sld [smem:$0x10];
	(tm) =	ssettm $0x1  }
0x97: {  	s17 =	sld [smem:$0x3FFB];
	_ =	sdelay $0x3  }
0x98: {  	_ =	strace s17  }
0x99: {  	s4 =	sld [smem:$0x3FFC];
	_ =	sdelay $0x3  }
0x9a: {  	_ =	strace s4  }
0x9b: {  	s4 =	sld [smem:$0x3FFD];
	_ =	sdelay $0x3  }
0x9c: {  	_ =	strace s4  }
0x9d: {  	_ =	strace $0x8FFFFFFF  }
0x9e: {  	s18 =	sld [smem:$0x3FDB];
	_ =	sdelay $0x1  }
0x9f: {  	s19 =	simm.s32 $_scs_section_size  }
0xa0: {  	s6 =	simm.s32 $_size__tile_overlayer_lowered;
	s7 =	simm.s32 $_tile_overlayer_lowered  }
0xa1: {  	s22 =	simm.s32 $0x1BFF;
	s21 =	sshll.u32 s7, $0x1;
	s4 =	sadd.s32 s19, s18  }
0xa2: {  	s8 =	simm.s32 $0x0;
	s20 =	sshll.u32 s6, $0x1;
	s6 =	sadd.s32 s21, s4  }
0xa3: {  	[timem:s8], [sflag:s22] =	dma.local [hbm:s6], s20  }
0xa4: {  	_ =	swait.ge [sflag:s22], s20  }
0xa5: {  	s5 =	ssub.s32 $0x0, s20;
	[sflag:s22] =	ssyncset.done $0x0  }
0xa6: {  	[sflag:s22] =	ssyncadd.s32 s5;
	_ =	sdelay $0x1  }
0xa7: {  	s23 =	simm.s32 $0x1B8B  }
0xa8: {  	_ =	swait.ge [sflag:s23], $0x1  }
0xa9: {  	[sflag:s23] =	ssyncset.done $0x0  }
0xaa: {  	s25 =	simm.s32 $0x1B8E;
	s24 =	sld [smem:$0x3FFE];
	[sflag:s23] =	ssyncadd.s32 $0xFFFFFFFF  }
0xab: {  	s26 =	simm.s32 $execute0_lowered;
	[smem:$0x3FD2] =	sst s25  }
0xac: {  	s6 =	sshll.u32 s26, $0x1;
	_ =	strace $0x80000046;
	[dreg:$0x1] =	wrdreg $0xFFFFFFFF  }
0xad: {  	s28 =	simm.s32 $_size_execute0_lowered;
	s4 =	sadd.s32 s4, s6;
	[dreg:$0x0] =	wrdreg $0x0  }
0xae: {  	s6 =	sshll.u32 s28, $0x1;
	[dreg:$0x2] =	wrdreg s4  }
0xaf: {  	[dreg:$0x3] =	wrdreg s6  }
0xb0: {  	[dreg:$0x4] =	wrdreg $0xC0  }
0xb1: {  	_ =	task [dreg:s8], $0x5FFFF  }
0xb2: {  	[dreg:$0x1] =	wrdreg $0xFFFFFFFF  }
0xb3: {  	[dreg:$0x0] =	wrdreg $0x60  }
0xb4: {  	[dreg:$0x2] =	wrdreg s24  }
0xb5: {  	[dreg:$0x3] =	wrdreg s15  }
0xb6: {  	[dreg:$0x4] =	wrdreg s16  }
0xb7: {  	[dreg:$0x5] =	wrdreg $0x9  }
0xb8: {  	_ =	task.clear_ibuf [dreg:s8], $0x6FFFF;
	_ =	strace $0x90000046  }
0xb9: {  	s29 =	simm.s32 $0x9;
	_ =	strace $0x80000048  }
0xba: {  	_ =	swait.ge [sflag:s29], $0x1  }
0xbb: {  	[sflag:s29] =	ssyncadd.s32 $0xFFFFFFFF  }
0xbc: {  	_ =	strace $0x90000048  }
0xbd: {  	_ =	sfence  }
0xbe: {  	s30 =	sld [smem:$0x0];
	_ =	sdelay $0x2  }
0xbf: {  	s31 =	sshll.u32 s1, $0xD;
	s1 =	sshrl.u32 s1, $0x2  }
0xc0: {  	s3 =	sand.u32 $0x4000, s31;
	s1 =	sadd.s32 s1, s30  }
0xc1: {  	s0 =	sor.u32 s3, s0;
	s1 =	sshll.u32 s1, $0x11  }
0xc2: {  	s0 =	sor.u32 s1, s0  }
0xc3: {  	s0 =	sadd.s32 $0x8F2B, s0  }
0xc4: {  	[sflag:s0] =	ssyncadd.remote.s32 $0x1  }
0xc5: {  	_ =	sfence.sel $0xFFFF  }
0xc6: {  	[dreg:$0x0] =	wrdreg $0xFFFFFFFF;
	(pc) =	sbr.abs _section_cstart, $3  }
0xc7: {  	[dreg:$0x1] =	wrdreg $0xFFFFFFFF  }
0xc8: {  	_ =	task.clear_ibuf [dreg:s8], $0x2FFFF;
	_ =	strace $0x9FFFFFFF  }
0xc9: {  	(tm) =	ssettm $0x7FFFFFFF  }
tec
execute0_lowered:
.L_overlay_start_1:
0x0: {  	(tag) =	ssettag $0x1  }
0x1: {  	s0 =	rddreg [dreg:$0x0]  }
0x2: {  	s1 =	rddreg [dreg:$0x1]  }
0x3: {  	s2 =	rddreg [dreg:$0x2];
	s4 =	srdreg.scid  }
0x4: {  	s3 =	simm.s32 $0x0;
	s10 =	stileid.u32;
	s11 =	simm.s32 $0x48  }
0x5: {  	s13 =	simm.s32 $0x6000;
	s14 =	simm.s32 $0x8400;
	s16 =	simm.s32 $0xC400  }
0x6: {  	s18 =	simm.s32 $0xE800;
	s28 =	simm.s32 $0x3;
	s29 =	simm.s32 $0x4  }
0x7: {  	s30 =	simm.s32 $0x5;
	s31 =	simm.s32 $0x6;
	s12 =	simm.s32 $0x0  }
0x8: {  	s5 =	sand.u32 $0x1, s4;
	[smem:$0x7FF] =	sst s3;
	s20 =	sshll.u32 s10, $0x6  }
0x9: {  	s22 =	smul.u32 $0x32000, s10;
	s10 =	simm.s32 $0x2000;
	s6 =	sshll.u32 s5, $0x5  }
0xa: {  	_ =	strace $0x80000047;
	s21 =	ssub.s32 $0x2, s5;
	s24 =	smul.u32 $0x19000, s5  }
0xb: {  	s4 =	sor.u32 s6, s20;
	s8 =	sshrl.u32 s21, $0x1;
	s26 =	sadd.s32 s22, s2  }
0xc: {  	s22 =	simm.s32 $0x14C00;
	s7 =	sshll.u32 s4, $0x5;
	s9 =	smul.u32 $0xC80, s4  }
0xd: {  	s6 =	ssub.s32 s21, s8;
	s8 =	simm.s32 $0x9;
	s0 =	sadd.s32 s7, s0  }
.Ltmp0:
0xe: {  	s25 =	smax.u32 s6, $0x1;
	s0 =	sadd.s32 $0x600, s0;
	(pc) =	sbr.rel .LBB2_1-.Ltmp0, $4  }
0xf: {  	s23 =	sadd.s32 s2, s9;
	[dreg:$0x5] =	wrdreg s25;
	s9 =	simm.s32 $0x80  }
0x10: {  	s25 =	simm.s32 $0x1;
	[dreg:$0x4] =	wrdreg s0;
	s0 =	sadd.s32 $0x18380, s23  }
0x11: {  	s2 =	simm.s32 $0x8;
	[dreg:$0x6] =	wrdreg s0;
	s0 =	sadd.s32 s24, s26  }
0x12: {  	s26 =	simm.s32 $0x2;
	[dreg:$0x7] =	wrdreg s0;
	s0 =	simm.s32 $0x7  }
.LBB2_4:
0x13: {  	_ =	swait.ge [sflag:s29], $0x6400  }
0x14: {  	[sflag:s29] =	ssyncset.done $0x0  }
0x15: {  	s4 =	rddreg [dreg:$0x6];
	[sflag:s29] =	ssyncadd.s32 $0xFFFF9C00  }
0x16: {  	[hbm4b:s4+s3] =	stream.linear.scatter [tilespmem:s22], [sflag:$0x8], $0x6400, $0x38;
	[tilespmem:$0x1B000] =	vst v63  }
0x17: {  	_ =	swait.ge [sflag:s30], $0x6400  }
0x18: {  	[sflag:s30] =	ssyncset.done $0x0  }
0x19: {  	[sflag:s30] =	ssyncadd.s32 $0xFFFF9C00  }
0x1a: {  	_ =	swait.ge [sflag:s31], $0x6400  }
0x1b: {  	[sflag:s31] =	ssyncset.done $0x0  }
0x1c: {  	[sflag:s31] =	ssyncadd.s32 $0xFFFF9C00  }
0x1d: {  	_ =	swait.ge [sflag:s0], $0x6400  }
0x1e: {  	[sflag:s0] =	ssyncset.done $0x0  }
0x1f: {  	[sflag:s0] =	ssyncadd.s32 $0xFFFF9C00  }
0x20: {  	_ =	swait.ge [sflag:s2], $0x6400  }
0x21: {  	s12 =	sadd.s32 $0x1, s12;
	s24 =	rddreg [dreg:$0x5]  }
0x22: {  	p0 =	sne.s32 s12, s24  }
.Ltmp1:
0x23: {  	_ = 	snop;
	(pc) =	sbr.rel @!p0 .LBB2_5-.Ltmp1, $3  }
0x24: {  	_ =	sdelay $0x1  }
0x25: {  	[sflag:s2] =	ssyncset.done $0x0  }
0x26: {  	[sflag:s2] =	ssyncadd.s32 $0xFFFF9C00  }
.LBB2_1:
0x27: {  	s4 =	rddreg [dreg:$0x4]  }
0x28: {  	[tilespmem:s3], [sflag:$0x9] =	stream.linear.gather [hbm4b:s4+s3], $0x2000, $0x38;
	[tilespmem:$0x1B000] =	vst v63  }
0x29: {  	_ =	swait.ge [sflag:s8], $0x2000  }
0x2a: {  	[sflag:s8] =	ssyncset.done $0x0  }
0x2b: {  	[sflag:s8] =	ssyncadd.s32 $0xFFFFE000  }
0x2c: {  	[tilespmem:s10], [sflag:$0x1] =	stream.indirect.gather [hbm4b:s1+s9], $0x80, s3, s9, $0xb8;
	[tilespmem:$0x1B000] =	vst v63  }
0x2d: {  	s15 =	simm.s32 $0x400  }
0x2e: {  	[tilespmem:s13], [sflag:$0x1] =	stream.indirect.gather [hbm4b:s1+s11], $0x80, s15, s11, $0xb8;
	[tilespmem:$0x1B000] =	vst v63  }
0x2f: {  	_ = 	snop  }
0x30: {  	[tilespmem:s14], [sflag:$0x2] =	stream.indirect.gather [hbm4b:s1+s9], $0x80, s9, s9, $0xb8;
	[tilespmem:$0x1B000] =	vst v63  }
0x31: {  	s17 =	simm.s32 $0x480  }
0x32: {  	[tilespmem:s16], [sflag:$0x2] =	stream.indirect.gather [hbm4b:s1+s11], $0x80, s17, s11, $0xb8;
	[tilespmem:$0x1B000] =	vst v63  }
0x33: {  	s19 =	simm.s32 $0x100;
	s20 =	simm.s32 $0x500;
	s5 =	simm.s32 $0x12800  }
0x34: {  	[tilespmem:s18], [sflag:$0x3] =	stream.indirect.gather [hbm4b:s1+s9], $0x80, s19, s9, $0xb8;
	[tilespmem:$0x1B000] =	vst v63  }
0x35: {  	s21 =	simm.s32 $0x180;
	s23 =	simm.s32 $0x580;
	s24 =	simm.s32 $0x18C00  }
0x36: {  	[tilespmem:s5], [sflag:$0x3] =	stream.indirect.gather [hbm4b:s1+s11], $0x80, s20, s11, $0xb8;
	[tilespmem:$0x1B000] =	vst v63  }
0x37: {  	p0 =	por $0x1, $0x1;
	s7 =	rddreg [dreg:$0x7];
	s15 =	simm.s32 $0x280  }
0x38: {  	[tilespmem:s22], [sflag:$0x4] =	stream.indirect.gather [hbm4b:s1+s9], $0x80, s21, s9, $0xb8;
	[tilespmem:$0x1B000] =	vst v63  }
0x39: {  	s19 =	simm.s32 $0x0;
	s20 =	simm.s32 $0x0;
	s21 =	simm.s32 $0x0  }
0x3a: {  	[tilespmem:s24], [sflag:$0x4] =	stream.indirect.gather [hbm4b:s1+s11], $0x80, s23, s11, $0xb8;
	[tilespmem:$0x1B000] =	vst v63  }
.LBB2_2:
0x3b: {  	_ =	swait.ge [sflag:s25], $0x6400  }
0x3c: {  	p1 =	seq.s32 s21, $0x0;
	[sflag:s25] =	ssyncset.done $0x0  }
0x3d: {  	s23 =	sand.u32 $0x3, s19;
	s24 =	simm.s32 @!p1 $0x7;
	[sflag:s25] =	ssyncadd.s32 $0xFFFF9C00  }
0x3e: {  	[hbm4b:s7+s3] =	stream.linear.scatter [tilespmem:s10], [sflag:$0x5], $0x6400, $0x38;
	[tilespmem:$0x1B000] =	vst v63  }
0x3f: {  	s23 =	sshll.u32 s23, $0x8;
	_ =	swait.ge @!p1 [sflag:s24], $0x6400  }
0x40: {  	s4 =	sadd.s32 @!p1 $0xFFFFFE80, s15;
	s5 =	simm.s32 @!p1 $0x80;
	[sflag:s24] =	ssyncset.done @!p1 $0x0  }
0x41: {  	s4 =	sand.u32 @!p1 $0x300, s4;
	[sflag:s24] =	ssyncadd.s32 @!p1 $0xFFFF9C00;
	s24 =	sand.u32 @!p1 $0x1800, s21  }
0x42: {  	s6 =	simm.s32 @!p1 $0xE800;
	s23 =	sadd.s32 $0x100, s23;
	s4 =	sor.u32 @!p1 s4, s24  }
0x43: {  	[tilespmem:s6], [sflag:$0x3] =	stream.indirect.gather @!p1 [hbm4b:s1+s5], $0x80, s4, s5, $0xb8;
	[tilespmem:$0x1B000] =	vst v63  }
0x44: {  	s4 =	sadd.s32 @!p1 s23, s21  }
0x45: {  	s6 =	simm.s32 @!p1 $0x48;
	s23 =	simm.s32 @!p1 $0x12800;
	s4 =	sor.u32 @!p1 $0x400, s4  }
0x46: {  	[tilespmem:s23], [sflag:$0x3] =	stream.indirect.gather @!p1 [hbm4b:s1+s6], $0x80, s4, s6, $0xb8;
	[tilespmem:$0x1B000] =	vst v63  }
0x47: {  	_ =	swait.ge [sflag:s26], $0x6400  }
0x48: {  	[sflag:s26] =	ssyncset.done $0x0  }
0x49: {  	s17 =	sand.u32 $0x7, s20;
	s23 =	sadd.s32 $0xC80, s7;
	[sflag:s26] =	ssyncadd.s32 $0xFFFF9C00  }
0x4a: {  	[hbm4b:s23+s3] =	stream.linear.scatter [tilespmem:s14], [sflag:$0x6], $0x6400, $0x38;
	[tilespmem:$0x1B000] =	vst v63  }
0x4b: {  	s4 =	sshll.u32 s17, $0x7;
	s17 =	sadd.s32 @!p1 $0xFFFFFF00, s15;
	s23 =	simm.s32 @!p1 $0x8  }
0x4c: {  	s17 =	sand.u32 @!p1 $0x380, s17;
	_ =	swait.ge @!p1 [sflag:s23], $0x6400  }
0x4d: {  	s4 =	sadd.s32 $0x180, s4;
	s17 =	sor.u32 @!p1 s17, s24;
	[sflag:s23] =	ssyncset.done @!p1 $0x0  }
0x4e: {  	s4 =	sadd.s32 @!p1 s4, s21;
	[sflag:s23] =	ssyncadd.s32 @!p1 $0xFFFF9C00;
	s23 =	simm.s32 @!p1 $0x14C00  }
0x4f: {  	[tilespmem:s23], [sflag:$0x4] =	stream.indirect.gather @!p1 [hbm4b:s1+s5], $0x80, s17, s5, $0xb8;
	[tilespmem:$0x1B000] =	vst v63  }
0x50: {  	s4 =	sor.u32 @!p1 $0x400, s4;
	s5 =	simm.s32 @!p1 $0x18C00  }
0x51: {  	[tilespmem:s5], [sflag:$0x4] =	stream.indirect.gather @!p1 [hbm4b:s1+s6], $0x80, s4, s6, $0xb8;
	[tilespmem:$0x1B000] =	vst v63  }
0x52: {  	p1 =	seq.s32 s21, $0x1C00  }
.Ltmp2:
0x53: {  	_ = 	snop;
	(pc) =	sbr.rel @p1 .LBB2_4-.Ltmp2, $4  }
0x54: {  	_ =	swait.ge [sflag:s28], $0x6400  }
0x55: {  	[sflag:s28] =	ssyncset.done $0x0  }
0x56: {  	s24 =	sadd.s32 $0x1900, s7;
	[sflag:s28] =	ssyncadd.s32 $0xFFFF9C00  }
0x57: {  	[hbm4b:s24+s3] =	stream.linear.scatter [tilespmem:s18], [sflag:$0x7], $0x6400, $0x38;
	[tilespmem:$0x1B000] =	vst v63  }
0x58: {  	s4 =	simm.s32 $0x1;
	_ =	swait.ge [sflag:s30], $0x6400;
	s5 =	sadd.s32 $0x400, s21  }
0x59: {  	s6 =	sadd.s32 $0xFFFFFF80, s15;
	s4 =	simm.s32 @!p0 $0x0;
	[sflag:s30] =	ssyncset.done $0x0  }
0x5a: {  	s17 =	sand.u32 $0x3800, s5;
	s6 =	sand.u32 $0x200, s6;
	s4 =	sshll.u32 s4, $0x9  }
0x5b: {  	[sflag:s30] =	ssyncadd.s32 $0xFFFF9C00;
	s6 =	sor.u32 s6, s17;
	s4 =	sor.u32 $0x400, s4  }
0x5c: {  	[tilespmem:s10], [sflag:$0x1] =	stream.indirect.gather [hbm4b:s1+s9], $0x80, s6, s9, $0xb8;
	[tilespmem:$0x1B000] =	vst v63  }
0x5d: {  	s4 =	sadd.s32 s4, s21  }
0x5e: {  	s4 =	sor.u32 $0x400, s4  }
0x5f: {  	[tilespmem:s13], [sflag:$0x1] =	stream.indirect.gather [hbm4b:s1+s11], $0x80, s4, s11, $0xb8;
	[tilespmem:$0x1B000] =	vst v63  }
0x60: {  	_ =	swait.ge [sflag:s29], $0x6400  }
0x61: {  	s23 =	sadd.s32 $0x500, s21;
	s24 =	sand.u32 $0x280, s15;
	[sflag:s29] =	ssyncset.done $0x0  }
0x62: {  	s20 =	sadd.s32 $0x4, s20;
	s17 =	sadd.s32 $0x2580, s7;
	[sflag:s29] =	ssyncadd.s32 $0xFFFF9C00  }
0x63: {  	[hbm4b:s17+s3] =	stream.linear.scatter [tilespmem:s22], [sflag:$0x8], $0x6400, $0x38;
	[tilespmem:$0x1B000] =	vst v63  }
0x64: {  	s19 =	sadd.s32 $0x2, s19;
	s15 =	sadd.s32 $0x200, s15;
	_ =	swait.ge [sflag:s31], $0x6400  }
.Ltmp3:
0x65: {  	s4 =	sand.u32 $0x3800, s23;
	[sflag:s31] =	ssyncset.done $0x0;
	(pc) =	sbr.rel .LBB2_2-.Ltmp3, $4  }
0x66: {  	p0 =	por !p0, !p0;
	s4 =	sor.u32 s24, s4;
	[sflag:s31] =	ssyncadd.s32 $0xFFFF9C00  }
0x67: {  	[tilespmem:s14], [sflag:$0x2] =	stream.indirect.gather [hbm4b:s1+s9], $0x80, s4, s9, $0xb8;
	[tilespmem:$0x1B000] =	vst v63  }
0x68: {  	s7 =	sadd.s32 $0x3200, s7;
	s21 =	smov.u32 s5;
	s4 =	sor.u32 $0x400, s4  }
0x69: {  	[tilespmem:s16], [sflag:$0x2] =	stream.indirect.gather [hbm4b:s1+s11], $0x80, s4, s11, $0xb8;
	[tilespmem:$0x1B000] =	vst v63  }
.LBB2_5:
0x6a: {  	_ =	sfence.sel $0x180000  }
0x6b: {  	[bflag:$0x0] =	sbarrier.arrive $0xFFFF  }
0x6c: {  	_ =	strace $0x90000047  }
0x6d: {  	s0 =	stileid.u32;
	[bflag:$0x2] =	sbarrier.arrive $0xFFFF  }
0x6e: {  	p0 =	sne.s32 s0, $0x0;
	s0 =	rddreg [dreg:$0x3]  }
0x6f: {  	s0 =	sadd.s32 @!p0 $0x100000, s0  }
0x70: {  	[sflag:s0] =	ssyncadd.tile.s32 @!p0 $0x1;
	_ =	shalt  }
.Lfunc_end2:
_tile_overlayer_lowered:
.L_overlay_start_2:
0x71: {  	(tag) =	ssettag $0x2  }
0x72: {  	s0 =	rddreg [dreg:$0x0];
	s2 =	stileid.u32  }
0x73: {  	s1 =	rddreg [dreg:$0x1];
	p0 =	sne.s32 s2, $0x0  }
0x74: {  	s3 =	rddreg [dreg:$0x2];
	[bflag:$0x3] =	sbarrier.arrive $0xFFFF;
	s2 =	simm.s32 @!p0 $0x1C09  }
0x75: {  	[timem:s3], [sflag:s2] =	dma.local @!p0 [hbm:s0], s1  }
0x76: {  	s0 =	simm.s32 @!p0 $0x9  }
0x77: {  	_ =	swait.ge @!p0 [sflag:s0], s1  }
0x78: {  	s1 =	ssub.s32 @!p0 $0x0, s1;
	[sflag:s0] =	ssyncset.done @!p0 $0x0  }
0x79: {  	[sflag:s0] =	ssyncadd.s32 @!p0 s1  }
0x7a: {  	[bflag:$0x3] =	sbarrier.arrive $0xFFFF  }
0x7b: {  	_ =	shalt  }

</sc_bundles>
